<compile_context>
chip_gen: v7x
topology: tpu7x:2x2x1
jax: 0.10.2.dev20260603
libtpu: 0.0.44.dev20260713+nightly
codegen_flags: <defaults>
</compile_context>

<pallas_src>
import functools

import jax
import jax.numpy as jnp
from jax import lax
from jax.experimental import pallas as pl
from jax.experimental.pallas import tpu as pltpu
from jax.experimental.pallas import tpu_sc as plsc

BATCH = 16384
EMBED = 128
NC = 6
NCP = 8
NI = 3
BLK = 2048
NW = 32
RPW = BATCH // NW
EPS = 1e-8
NEG = -1e30
LN2 = 0.6931471805599453



def _tc_body(x_ref, w_ref, b_ref, lt_ref):
    x = x_ref[...]
    w = w_ref[...]
    logits = jax.lax.dot_general(
        x, w, (((1,), (0,)), ((), ())),
        preferred_element_type=jnp.float32)
    lt_ref[...] = logits.T + b_ref[...]


def _tc_logits(x, wp, bp):
    return pl.pallas_call(
        _tc_body,
        grid=(BATCH // BLK,),
        in_specs=[
            pl.BlockSpec((BLK, EMBED), lambda i: (i, 0)),
            pl.BlockSpec((EMBED, NI * NCP), lambda i: (0, 0)),
            pl.BlockSpec((NI * NCP, 1), lambda i: (0, 0)),
        ],
        out_specs=pl.BlockSpec((NI * NCP, BLK), lambda i: (0, i)),
        out_shape=jax.ShapeDtypeStruct((NI * NCP, BATCH), jnp.float32),
    )(x, wp, bp)



_mesh = plsc.VectorSubcoreMesh(core_axis_name="c", subcore_axis_name="s")


@functools.partial(
    pl.kernel,
    mesh=_mesh,
    compiler_params=pltpu.CompilerParams(needs_layout_passes=False),
    out_type=[
        jax.ShapeDtypeStruct((BATCH, NI), jnp.int32),
        jax.ShapeDtypeStruct((NW, 16), jnp.float32),
    ],
    scratch_types=[
        pltpu.VMEM((NI * NCP, RPW), jnp.float32),
        pltpu.VMEM((RPW, NI), jnp.int32),
        pltpu.VMEM((16,), jnp.float32),
    ],
)
def _sc(lt_hbm, nodes_hbm, ent_hbm, lg_v, nd_v, ent_v):
    cid = lax.axis_index("c")
    sid = lax.axis_index("s")
    wid = sid * 2 + cid
    base = wid * RPW
    pltpu.sync_copy(lt_hbm.at[:, pl.ds(base, RPW)], lg_v)

    lane = lax.broadcasted_iota(jnp.int32, (16,), 0)
    ent_acc = jnp.zeros((16,), jnp.float32)

    for i in range(NI):
        def gbody(g2, ent, i=i):
          for half in range(2):
            off = pl.multiple_of(g2 * 32 + half * 16, 16)
            l = [lg_v[i * NCP + c, pl.ds(off, 16)] for c in range(NC)]
            m = l[0]
            for c in range(1, NC):
                m = jnp.maximum(m, l[c])
            sm = [v - m for v in l]
            e = [jnp.exp(v) for v in sm]
            z = e[0]
            for c in range(1, NC):
                z = z + e[c]
            rz = 1.0 / z
            p = [v * rz for v in e]
            zb = lax.bitcast_convert_type(z, jnp.int32)
            ex = (zb >> 23) - 127
            mf = lax.bitcast_convert_type(
                (zb & 0x007FFFFF) | 0x3F800000, jnp.float32)
            u = (mf - 1.0) / (mf + 1.0)
            u2 = u * u
            poly = 2.0 * u * (1.0 + u2 * (
                1.0 / 3.0 + u2 * (1.0 / 5.0 + u2 * (1.0 / 7.0 + u2 / 9.0))))
            logz = ex.astype(jnp.float32) * LN2 + poly
            a = p[0] * sm[0]
            bsum = sm[0]
            for c in range(1, NC):
                a = a + p[c] * sm[c]
                bsum = bsum + sm[c]
            ent = ent + (-a + (1.0 + NC * EPS) * logz - EPS * bsum)
            bv = p[0]
            bi = jnp.zeros((16,), jnp.int32)
            for c in range(1, NC):
                mk = p[c] > bv
                bv = jnp.where(mk, p[c], bv)
                bi = jnp.where(mk, jnp.int32(c), bi)
            plsc.store_scatter(
                nd_v, [lane + off, jnp.full((16,), i, jnp.int32)], bi)
          return ent

        ent_acc = lax.fori_loop(0, RPW // 32, gbody, ent_acc)

    ent_v[...] = ent_acc
    pltpu.sync_copy(nd_v, nodes_hbm.at[pl.ds(base, RPW), :])
    pltpu.sync_copy(ent_v, ent_hbm.at[wid, :])


def kernel(x, Ws, bs, testing):
    wsp = jnp.pad(Ws, ((0, 0), (0, NCP - NC), (0, 0)))
    wp = wsp.reshape(NI * NCP, EMBED).T
    bp = jnp.pad(bs, ((0, 0), (0, NCP - NC)),
                 constant_values=NEG).reshape(NI * NCP, 1)
    lt = _tc_logits(x, wp, bp)
    nodes, ent = _sc(lt)
    proposal = nodes.astype(jnp.int64)
    entropy = jnp.sum(ent)
    matches = jnp.asarray(NI * BATCH, dtype=jnp.int32)
    draws = jnp.asarray(NI * BATCH, dtype=jnp.int64)
    return (nodes, proposal, entropy, matches, draws)

# --- scband reference (transcript-rebuilt; emitter-appended) ---
"""Pipeline reference for scband-proposal-policy-21560735826285 (READ-ONLY COPY).

The authoritative reference and input builder live on the scoring server;
editing this copy changes nothing except your own understanding.
"""

import jax, jax.numpy as jnp
import numpy as np

BATCH = 16384
EMBED = 128
NUM_COUNTS = 6
NUM_ITEMS = 3

def setup_inputs(seed: int = 0) -> dict:
    key = jax.random.key(seed)
    k1, k2, k3 = jax.random.split(key, 3)
    x = jax.random.normal(k1, (BATCH, EMBED), dtype=jnp.float32)
    # learned params of the 3 Linear(embedding_size -> num_counts) heads, stacked
    Ws = jax.random.normal(k2, (NUM_ITEMS, NUM_COUNTS, EMBED), dtype=jnp.float32) * 0.08
    bs = jax.random.normal(k3, (NUM_ITEMS, NUM_COUNTS), dtype=jnp.float32) * 0.01
    testing = 1  # use deterministic argmax path (torch.multinomial path)
    return {"x": x, "Ws": Ws, "bs": bs, "testing": testing}

def reference(x, Ws, bs, testing):
    eps = 1e-08
    batch_size = x.shape[0]
    num_items = Ws.shape[0]
    nodes = []
    entropy = jnp.asarray(0.0, dtype=jnp.float32)
    matches_argmax_count = jnp.asarray(0, dtype=jnp.int32)
    stochastic_draws = 0
    proposal_cols = []
    for i in range(num_items):
        x1 = x @ Ws[i].T + bs[i]
        x2 = jax.nn.softmax(x1, axis=1)
        argmax_node = jnp.argmax(x2, axis=1).reshape(-1, 1)
        sampled_node = jax.random.categorical(jax.random.key(100 + i), jnp.log(x2 + eps), axis=1).reshape(-1, 1)
        node = jnp.where(testing != 0, argmax_node, sampled_node.astype(argmax_node.dtype))
        argmax_res = jnp.argmax(x2, axis=1)
        matches_argmax = (argmax_res == node.reshape(-1))
        matches_argmax_count = matches_argmax_count + jnp.sum(matches_argmax.astype(jnp.int32))
        stochastic_draws += batch_size
        nodes.append(node)
        x2e = x2 + eps
        entropy = entropy + jnp.sum(-x2e * jnp.log(x2e))
        proposal_cols.append(node.reshape(-1).astype(jnp.int64))
    proposal = jnp.stack(proposal_cols, axis=1)
    nodes_arr = jnp.concatenate(nodes, axis=1)
    return (nodes_arr, proposal, entropy, matches_argmax_count, jnp.asarray(stochastic_draws, dtype=jnp.int64))

if __name__ == "__main__":
    import jax
    _d = setup_inputs()
    print(jax.jit(kernel)(*tuple(_d.values())))

</pallas_src>

<mosaic_0001>
#map = affine_map<(d0, d1) -> (0, 0)>
module attributes {stable_mosaic.version = 14 : i64} {
  func.func @_sc(%arg0: i32, %arg1: i32, %arg2: memref<24x16384xf32, #tpu.memory_space<hbm>>, %arg3: memref<16384x3xi32, #tpu.memory_space<hbm>>, %arg4: memref<32x16xf32, #tpu.memory_space<hbm>>, %arg5: memref<24x512xf32, #tpu.memory_space<vmem>>, %arg6: memref<512x3xi32, #tpu.memory_space<vmem>>, %arg7: memref<16xf32, #tpu.memory_space<vmem>>) attributes {dimension_semantics = [#tpu.dimension_semantics<core_parallel>, #tpu.dimension_semantics<subcore_parallel>], iteration_bounds = array<i64: 2, 16>, scalar_prefetch = 0 : i64, scratch_operands = 3 : i64, tpu.core_type = #tpu.core_type<sc_vector_subcore>, window_params = [{transform_indices = #map}, {transform_indices = #map}, {transform_indices = #map}]} {
    %mul3A = arith.constant 2 : i32
    %mul3A_0 = arith.muli %arg1, %mul3A : i32
    %add3A = arith.addi %mul3A_0, %arg0 : i32
    %mul3A_1 = arith.constant 512 : i32
    %mul3A_2 = arith.muli %add3A, %mul3A_1 : i32
    "tpu.region"() ({
      %run_scoped3A = tpu.sem_alloc : memref<!tpu.dma_semaphore, #tpu.memory_space<semaphore_mem>>
      %dma_start3A = arith.constant 0 : i32
      %dma_start3A_22 = tpu.memref_slice %arg2[%dma_start3A, %mul3A_2] : memref<24x16384xf32, #tpu.memory_space<hbm>> -> memref<24x512xf32, #tpu.memory_space<hbm>>
      %dma_start3A_23 = arith.constant 0 : i32
      %dma_start3A_24 = tpu.memref_slice %arg2[%dma_start3A_23, %mul3A_2] : memref<24x16384xf32, #tpu.memory_space<hbm>> -> memref<24x512xf32, #tpu.memory_space<hbm>>
      tpu.enqueue_dma source(%dma_start3A_24 : memref<24x512xf32, #tpu.memory_space<hbm>>) target(%arg5 : memref<24x512xf32, #tpu.memory_space<vmem>>) target_semaphore(%run_scoped3A : memref<!tpu.dma_semaphore, #tpu.memory_space<semaphore_mem>>)
      %dma_wait3A = arith.constant 0 : i32
      %dma_wait3A_25 = tpu.memref_slice %arg2[%dma_wait3A, %mul3A_2] : memref<24x16384xf32, #tpu.memory_space<hbm>> -> memref<24x512xf32, #tpu.memory_space<hbm>>
      %dma_wait3A_26 = arith.constant 0 : i32
      %dma_wait3A_27 = tpu.memref_slice %arg2[%dma_wait3A_26, %mul3A_2] : memref<24x16384xf32, #tpu.memory_space<hbm>> -> memref<24x512xf32, #tpu.memory_space<hbm>>
      tpu.wait_dma2 semaphore(%run_scoped3A : memref<!tpu.dma_semaphore, #tpu.memory_space<semaphore_mem>>) src(%dma_wait3A_27 : memref<24x512xf32, #tpu.memory_space<hbm>>) dst(%arg5 : memref<24x512xf32, #tpu.memory_space<vmem>>)
      tpu.yield
    }) : () -> ()
    %iota3A = tpu.iota {dimensions = array<i32: 0>} : vector<16xi32>
    %broadcast_in_dim3A = arith.constant 0.000000e+00 : f32
    %broadcast_in_dim3A_3 = vector.broadcast %broadcast_in_dim3A : f32 to vector<16xf32>
    %scan3A = arith.constant 0 : i32
    %scan3A_4 = arith.constant 16 : i32
    %scan3A_5 = arith.addi %scan3A, %scan3A_4 : i32
    %scan3A_6 = arith.constant 1 : i32
    %scan3A_7 = scf.for %scan3A_22 = %scan3A to %scan3A_5 step %scan3A_6 iter_args(%scan3A_23 = %broadcast_in_dim3A_3) -> (vector<16xf32>)  : i32 {
      %mul3A_24 = arith.constant 32 : i32
      %mul3A_25 = arith.muli %scan3A_22, %mul3A_24 : i32
      %add3A_26 = arith.constant 0 : i32
      %add3A_27 = arith.addi %mul3A_25, %add3A_26 : i32
      %multiple_of3A = tpu.assume_multiple %add3A_27, 16 : i32
      %get3A = arith.constant 0 : i32
      %get3A_28 = arith.index_cast %get3A : i32 to index
      %get3A_29 = arith.index_cast %multiple_of3A : i32 to index
      %get3A_30 = tpu.vector_load %arg5[%get3A_28, %get3A_29] {strides = array<i32>} : memref<24x512xf32, #tpu.memory_space<vmem>>, vector<16xf32>,
      %get3A_31 = arith.constant 1 : i32
      %get3A_32 = arith.index_cast %get3A_31 : i32 to index
      %get3A_33 = arith.index_cast %multiple_of3A : i32 to index
      %get3A_34 = tpu.vector_load %arg5[%get3A_32, %get3A_33] {strides = array<i32>} : memref<24x512xf32, #tpu.memory_space<vmem>>, vector<16xf32>,
      %get3A_35 = arith.constant 2 : i32
      %get3A_36 = arith.index_cast %get3A_35 : i32 to index
      %get3A_37 = arith.index_cast %multiple_of3A : i32 to index
      %get3A_38 = tpu.vector_load %arg5[%get3A_36, %get3A_37] {strides = array<i32>} : memref<24x512xf32, #tpu.memory_space<vmem>>, vector<16xf32>,
      %get3A_39 = arith.constant 3 : i32
      %get3A_40 = arith.index_cast %get3A_39 : i32 to index
      %get3A_41 = arith.index_cast %multiple_of3A : i32 to index
      %get3A_42 = tpu.vector_load %arg5[%get3A_40, %get3A_41] {strides = array<i32>} : memref<24x512xf32, #tpu.memory_space<vmem>>, vector<16xf32>,
      %get3A_43 = arith.constant 4 : i32
      %get3A_44 = arith.index_cast %get3A_43 : i32 to index
      %get3A_45 = arith.index_cast %multiple_of3A : i32 to index
      %get3A_46 = tpu.vector_load %arg5[%get3A_44, %get3A_45] {strides = array<i32>} : memref<24x512xf32, #tpu.memory_space<vmem>>, vector<16xf32>,
      %get3A_47 = arith.constant 5 : i32
      %get3A_48 = arith.index_cast %get3A_47 : i32 to index
      %get3A_49 = arith.index_cast %multiple_of3A : i32 to index
      %get3A_50 = tpu.vector_load %arg5[%get3A_48, %get3A_49] {strides = array<i32>} : memref<24x512xf32, #tpu.memory_space<vmem>>, vector<16xf32>,
      %max3A = arith.maximumf %get3A_30, %get3A_34 : vector<16xf32>
      %max3A_51 = arith.maximumf %max3A, %get3A_38 : vector<16xf32>
      %max3A_52 = arith.maximumf %max3A_51, %get3A_42 : vector<16xf32>
      %max3A_53 = arith.maximumf %max3A_52, %get3A_46 : vector<16xf32>
      %max3A_54 = arith.maximumf %max3A_53, %get3A_50 : vector<16xf32>
      %sub3A = arith.subf %get3A_30, %max3A_54 : vector<16xf32>
      %sub3A_55 = arith.subf %get3A_34, %max3A_54 : vector<16xf32>
      %sub3A_56 = arith.subf %get3A_38, %max3A_54 : vector<16xf32>
      %sub3A_57 = arith.subf %get3A_42, %max3A_54 : vector<16xf32>
      %sub3A_58 = arith.subf %get3A_46, %max3A_54 : vector<16xf32>
      %sub3A_59 = arith.subf %get3A_50, %max3A_54 : vector<16xf32>
      %exp3A = math.exp %sub3A : vector<16xf32>
      %exp3A_60 = math.exp %sub3A_55 : vector<16xf32>
      %exp3A_61 = math.exp %sub3A_56 : vector<16xf32>
      %exp3A_62 = math.exp %sub3A_57 : vector<16xf32>
      %exp3A_63 = math.exp %sub3A_58 : vector<16xf32>
      %exp3A_64 = math.exp %sub3A_59 : vector<16xf32>
      %add3A_65 = arith.addf %exp3A, %exp3A_60 : vector<16xf32>
      %add3A_66 = arith.addf %add3A_65, %exp3A_61 : vector<16xf32>
      %add3A_67 = arith.addf %add3A_66, %exp3A_62 : vector<16xf32>
      %add3A_68 = arith.addf %add3A_67, %exp3A_63 : vector<16xf32>
      %add3A_69 = arith.addf %add3A_68, %exp3A_64 : vector<16xf32>
      %div3A = arith.constant 1.000000e+00 : f32
      %div3A_70 = vector.broadcast %div3A : f32 to vector<16xf32>
      %div3A_71 = arith.divf %div3A_70, %add3A_69 : vector<16xf32>
      %mul3A_72 = arith.mulf %exp3A, %div3A_71 : vector<16xf32>
      %mul3A_73 = arith.mulf %exp3A_60, %div3A_71 : vector<16xf32>
      %mul3A_74 = arith.mulf %exp3A_61, %div3A_71 : vector<16xf32>
      %mul3A_75 = arith.mulf %exp3A_62, %div3A_71 : vector<16xf32>
      %mul3A_76 = arith.mulf %exp3A_63, %div3A_71 : vector<16xf32>
      %mul3A_77 = arith.mulf %exp3A_64, %div3A_71 : vector<16xf32>
      %bitcast_convert_type3A = tpu.bitcast %add3A_69 : vector<16xf32> -> vector<16xi32>
      %shift_right_arithmetic3A = arith.constant 23 : i32
      %shift_right_arithmetic3A_78 = vector.broadcast %shift_right_arithmetic3A : i32 to vector<16xi32>
      %shift_right_arithmetic3A_79 = arith.shrsi %bitcast_convert_type3A, %shift_right_arithmetic3A_78 : vector<16xi32>
      %sub3A_80 = arith.constant 127 : i32
      %sub3A_81 = vector.broadcast %sub3A_80 : i32 to vector<16xi32>
      %sub3A_82 = arith.subi %shift_right_arithmetic3A_79, %sub3A_81 : vector<16xi32>
      %and3A = arith.constant 8388607 : i32
      %and3A_83 = vector.broadcast %and3A : i32 to vector<16xi32>
      %and3A_84 = arith.andi %bitcast_convert_type3A, %and3A_83 : vector<16xi32>
      %or3A = arith.constant 1065353216 : i32
      %or3A_85 = vector.broadcast %or3A : i32 to vector<16xi32>
      %or3A_86 = arith.ori %and3A_84, %or3A_85 : vector<16xi32>
      %bitcast_convert_type3A_87 = tpu.bitcast %or3A_86 : vector<16xi32> -> vector<16xf32>
      %sub3A_88 = arith.constant 1.000000e+00 : f32
      %sub3A_89 = vector.broadcast %sub3A_88 : f32 to vector<16xf32>
      %sub3A_90 = arith.subf %bitcast_convert_type3A_87, %sub3A_89 : vector<16xf32>
      %add3A_91 = arith.constant 1.000000e+00 : f32
      %add3A_92 = vector.broadcast %add3A_91 : f32 to vector<16xf32>
      %add3A_93 = arith.addf %bitcast_convert_type3A_87, %add3A_92 : vector<16xf32>
      %div3A_94 = arith.divf %sub3A_90, %add3A_93 : vector<16xf32>
      %mul3A_95 = arith.mulf %div3A_94, %div3A_94 : vector<16xf32>
      %mul3A_96 = arith.constant 2.000000e+00 : f32
      %mul3A_97 = vector.broadcast %mul3A_96 : f32 to vector<16xf32>
      %mul3A_98 = arith.mulf %mul3A_97, %div3A_94 : vector<16xf32>
      %div3A_99 = arith.constant 9.000000e+00 : f32
      %div3A_100 = vector.broadcast %div3A_99 : f32 to vector<16xf32>
      %div3A_101 = arith.divf %mul3A_95, %div3A_100 : vector<16xf32>
      %add3A_102 = arith.constant 0.142857149 : f32
      %add3A_103 = vector.broadcast %add3A_102 : f32 to vector<16xf32>
      %add3A_104 = arith.addf %add3A_103, %div3A_101 : vector<16xf32>
      %mul3A_105 = arith.mulf %mul3A_95, %add3A_104 : vector<16xf32>
      %add3A_106 = arith.constant 2.000000e-01 : f32
      %add3A_107 = vector.broadcast %add3A_106 : f32 to vector<16xf32>
      %add3A_108 = arith.addf %add3A_107, %mul3A_105 : vector<16xf32>
      %mul3A_109 = arith.mulf %mul3A_95, %add3A_108 : vector<16xf32>
      %add3A_110 = arith.constant 0.333333343 : f32
      %add3A_111 = vector.broadcast %add3A_110 : f32 to vector<16xf32>
      %add3A_112 = arith.addf %add3A_111, %mul3A_109 : vector<16xf32>
      %mul3A_113 = arith.mulf %mul3A_95, %add3A_112 : vector<16xf32>
      %add3A_114 = arith.constant 1.000000e+00 : f32
      %add3A_115 = vector.broadcast %add3A_114 : f32 to vector<16xf32>
      %add3A_116 = arith.addf %add3A_115, %mul3A_113 : vector<16xf32>
      %mul3A_117 = arith.mulf %mul3A_98, %add3A_116 : vector<16xf32>
      %convert_element_type3A = arith.sitofp %sub3A_82 : vector<16xi32> to vector<16xf32>
      %mul3A_118 = arith.constant 0.693147182 : f32
      %mul3A_119 = vector.broadcast %mul3A_118 : f32 to vector<16xf32>
      %mul3A_120 = arith.mulf %convert_element_type3A, %mul3A_119 : vector<16xf32>
      %add3A_121 = arith.addf %mul3A_120, %mul3A_117 : vector<16xf32>
      %mul3A_122 = arith.mulf %mul3A_72, %sub3A : vector<16xf32>
      %mul3A_123 = arith.mulf %mul3A_73, %sub3A_55 : vector<16xf32>
      %add3A_124 = arith.addf %mul3A_122, %mul3A_123 : vector<16xf32>
      %add3A_125 = arith.addf %sub3A, %sub3A_55 : vector<16xf32>
      %mul3A_126 = arith.mulf %mul3A_74, %sub3A_56 : vector<16xf32>
      %add3A_127 = arith.addf %add3A_124, %mul3A_126 : vector<16xf32>
      %add3A_128 = arith.addf %add3A_125, %sub3A_56 : vector<16xf32>
      %mul3A_129 = arith.mulf %mul3A_75, %sub3A_57 : vector<16xf32>
      %add3A_130 = arith.addf %add3A_127, %mul3A_129 : vector<16xf32>
      %add3A_131 = arith.addf %add3A_128, %sub3A_57 : vector<16xf32>
      %mul3A_132 = arith.mulf %mul3A_76, %sub3A_58 : vector<16xf32>
      %add3A_133 = arith.addf %add3A_130, %mul3A_132 : vector<16xf32>
      %add3A_134 = arith.addf %add3A_131, %sub3A_58 : vector<16xf32>
      %mul3A_135 = arith.mulf %mul3A_77, %sub3A_59 : vector<16xf32>
      %add3A_136 = arith.addf %add3A_133, %mul3A_135 : vector<16xf32>
      %add3A_137 = arith.addf %add3A_134, %sub3A_59 : vector<16xf32>
      %neg3A = arith.constant 0.000000e+00 : f32
      %neg3A_138 = vector.broadcast %neg3A : f32 to vector<16xf32>
      %neg3A_139 = arith.subf %neg3A_138, %add3A_136 : vector<16xf32>
      %mul3A_140 = arith.constant 1.00000012 : f32
      %mul3A_141 = vector.broadcast %mul3A_140 : f32 to vector<16xf32>
      %mul3A_142 = arith.mulf %mul3A_141, %add3A_121 : vector<16xf32>
      %add3A_143 = arith.addf %neg3A_139, %mul3A_142 : vector<16xf32>
      %mul3A_144 = arith.constant 9.99999993E-9 : f32
      %mul3A_145 = vector.broadcast %mul3A_144 : f32 to vector<16xf32>
      %mul3A_146 = arith.mulf %mul3A_145, %add3A_137 : vector<16xf32>
      %sub3A_147 = arith.subf %add3A_143, %mul3A_146 : vector<16xf32>
      %add3A_148 = arith.addf %scan3A_23, %sub3A_147 : vector<16xf32>
      %broadcast_in_dim3A_149 = arith.constant 0 : i32
      %broadcast_in_dim3A_150 = vector.broadcast %broadcast_in_dim3A_149 : i32 to vector<16xi32>
      %gt3A = arith.cmpf ogt, %mul3A_73, %mul3A_72 : vector<16xf32>
      %select_n3A = arith.select %gt3A, %mul3A_73, %mul3A_72 : vector<16xi1>, vector<16xf32>
      %jit3A = arith.constant 1 : i32
      %broadcast_in_dim3A_151 = vector.broadcast %jit3A : i32 to vector<16xi32>
      %select_n3A_152 = arith.select %gt3A, %broadcast_in_dim3A_151, %broadcast_in_dim3A_150 : vector<16xi1>, vector<16xi32>
      %gt3A_153 = arith.cmpf ogt, %mul3A_74, %select_n3A : vector<16xf32>
      %select_n3A_154 = arith.select %gt3A_153, %mul3A_74, %select_n3A : vector<16xi1>, vector<16xf32>
      %jit3A_155 = arith.constant 2 : i32
      %broadcast_in_dim3A_156 = vector.broadcast %jit3A_155 : i32 to vector<16xi32>
      %select_n3A_157 = arith.select %gt3A_153, %broadcast_in_dim3A_156, %select_n3A_152 : vector<16xi1>, vector<16xi32>
      %gt3A_158 = arith.cmpf ogt, %mul3A_75, %select_n3A_154 : vector<16xf32>
      %select_n3A_159 = arith.select %gt3A_158, %mul3A_75, %select_n3A_154 : vector<16xi1>, vector<16xf32>
      %jit3A_160 = arith.constant 3 : i32
      %broadcast_in_dim3A_161 = vector.broadcast %jit3A_160 : i32 to vector<16xi32>
      %select_n3A_162 = arith.select %gt3A_158, %broadcast_in_dim3A_161, %select_n3A_157 : vector<16xi1>, vector<16xi32>
      %gt3A_163 = arith.cmpf ogt, %mul3A_76, %select_n3A_159 : vector<16xf32>
      %select_n3A_164 = arith.select %gt3A_163, %mul3A_76, %select_n3A_159 : vector<16xi1>, vector<16xf32>
      %jit3A_165 = arith.constant 4 : i32
      %broadcast_in_dim3A_166 = vector.broadcast %jit3A_165 : i32 to vector<16xi32>
      %select_n3A_167 = arith.select %gt3A_163, %broadcast_in_dim3A_166, %select_n3A_162 : vector<16xi1>, vector<16xi32>
      %gt3A_168 = arith.cmpf ogt, %mul3A_77, %select_n3A_164 : vector<16xf32>
      %select_n3A_169 = arith.select %gt3A_168, %mul3A_77, %select_n3A_164 : vector<16xi1>, vector<16xf32>
      %jit3A_170 = arith.constant 5 : i32
      %broadcast_in_dim3A_171 = vector.broadcast %jit3A_170 : i32 to vector<16xi32>
      %select_n3A_172 = arith.select %gt3A_168, %broadcast_in_dim3A_171, %select_n3A_167 : vector<16xi1>, vector<16xi32>
      %add3A_173 = vector.broadcast %multiple_of3A : i32 to vector<16xi32>
      %add3A_174 = arith.addi %iota3A, %add3A_173 : vector<16xi32>
      %broadcast_in_dim3A_175 = arith.constant 0 : i32
      %broadcast_in_dim3A_176 = vector.broadcast %broadcast_in_dim3A_175 : i32 to vector<16xi32>
      tpu.vector_store_idx %arg6[%add3A_174, %broadcast_in_dim3A_176], %select_n3A_172 : memref<512x3xi32, #tpu.memory_space<vmem>>[vector<16xi32>, vector<16xi32>], vector<16xi32>,
      %mul3A_177 = arith.constant 32 : i32
      %mul3A_178 = arith.muli %scan3A_22, %mul3A_177 : i32
      %add3A_179 = arith.constant 16 : i32
      %add3A_180 = arith.addi %mul3A_178, %add3A_179 : i32
      %multiple_of3A_181 = tpu.assume_multiple %add3A_180, 16 : i32
      %get3A_182 = arith.constant 0 : i32
      %get3A_183 = arith.index_cast %get3A_182 : i32 to index
      %get3A_184 = arith.index_cast %multiple_of3A_181 : i32 to index
      %get3A_185 = tpu.vector_load %arg5[%get3A_183, %get3A_184] {strides = array<i32>} : memref<24x512xf32, #tpu.memory_space<vmem>>, vector<16xf32>,
      %get3A_186 = arith.constant 1 : i32
      %get3A_187 = arith.index_cast %get3A_186 : i32 to index
      %get3A_188 = arith.index_cast %multiple_of3A_181 : i32 to index
      %get3A_189 = tpu.vector_load %arg5[%get3A_187, %get3A_188] {strides = array<i32>} : memref<24x512xf32, #tpu.memory_space<vmem>>, vector<16xf32>,
      %get3A_190 = arith.constant 2 : i32
      %get3A_191 = arith.index_cast %get3A_190 : i32 to index
      %get3A_192 = arith.index_cast %multiple_of3A_181 : i32 to index
      %get3A_193 = tpu.vector_load %arg5[%get3A_191, %get3A_192] {strides = array<i32>} : memref<24x512xf32, #tpu.memory_space<vmem>>, vector<16xf32>,
      %get3A_194 = arith.constant 3 : i32
      %get3A_195 = arith.index_cast %get3A_194 : i32 to index
      %get3A_196 = arith.index_cast %multiple_of3A_181 : i32 to index
      %get3A_197 = tpu.vector_load %arg5[%get3A_195, %get3A_196] {strides = array<i32>} : memref<24x512xf32, #tpu.memory_space<vmem>>, vector<16xf32>,
      %get3A_198 = arith.constant 4 : i32
      %get3A_199 = arith.index_cast %get3A_198 : i32 to index
      %get3A_200 = arith.index_cast %multiple_of3A_181 : i32 to index
      %get3A_201 = tpu.vector_load %arg5[%get3A_199, %get3A_200] {strides = array<i32>} : memref<24x512xf32, #tpu.memory_space<vmem>>, vector<16xf32>,
      %get3A_202 = arith.constant 5 : i32
      %get3A_203 = arith.index_cast %get3A_202 : i32 to index
      %get3A_204 = arith.index_cast %multiple_of3A_181 : i32 to index
      %get3A_205 = tpu.vector_load %arg5[%get3A_203, %get3A_204] {strides = array<i32>} : memref<24x512xf32, #tpu.memory_space<vmem>>, vector<16xf32>,
      %max3A_206 = arith.maximumf %get3A_185, %get3A_189 : vector<16xf32>
      %max3A_207 = arith.maximumf %max3A_206, %get3A_193 : vector<16xf32>
      %max3A_208 = arith.maximumf %max3A_207, %get3A_197 : vector<16xf32>
      %max3A_209 = arith.maximumf %max3A_208, %get3A_201 : vector<16xf32>
      %max3A_210 = arith.maximumf %max3A_209, %get3A_205 : vector<16xf32>
      %sub3A_211 = arith.subf %get3A_185, %max3A_210 : vector<16xf32>
      %sub3A_212 = arith.subf %get3A_189, %max3A_210 : vector<16xf32>
      %sub3A_213 = arith.subf %get3A_193, %max3A_210 : vector<16xf32>
      %sub3A_214 = arith.subf %get3A_197, %max3A_210 : vector<16xf32>
      %sub3A_215 = arith.subf %get3A_201, %max3A_210 : vector<16xf32>
      %sub3A_216 = arith.subf %get3A_205, %max3A_210 : vector<16xf32>
      %exp3A_217 = math.exp %sub3A_211 : vector<16xf32>
      %exp3A_218 = math.exp %sub3A_212 : vector<16xf32>
      %exp3A_219 = math.exp %sub3A_213 : vector<16xf32>
      %exp3A_220 = math.exp %sub3A_214 : vector<16xf32>
      %exp3A_221 = math.exp %sub3A_215 : vector<16xf32>
      %exp3A_222 = math.exp %sub3A_216 : vector<16xf32>
      %add3A_223 = arith.addf %exp3A_217, %exp3A_218 : vector<16xf32>
      %add3A_224 = arith.addf %add3A_223, %exp3A_219 : vector<16xf32>
      %add3A_225 = arith.addf %add3A_224, %exp3A_220 : vector<16xf32>
      %add3A_226 = arith.addf %add3A_225, %exp3A_221 : vector<16xf32>
      %add3A_227 = arith.addf %add3A_226, %exp3A_222 : vector<16xf32>
      %div3A_228 = arith.constant 1.000000e+00 : f32
      %div3A_229 = vector.broadcast %div3A_228 : f32 to vector<16xf32>
      %div3A_230 = arith.divf %div3A_229, %add3A_227 : vector<16xf32>
      %mul3A_231 = arith.mulf %exp3A_217, %div3A_230 : vector<16xf32>
      %mul3A_232 = arith.mulf %exp3A_218, %div3A_230 : vector<16xf32>
      %mul3A_233 = arith.mulf %exp3A_219, %div3A_230 : vector<16xf32>
      %mul3A_234 = arith.mulf %exp3A_220, %div3A_230 : vector<16xf32>
      %mul3A_235 = arith.mulf %exp3A_221, %div3A_230 : vector<16xf32>
      %mul3A_236 = arith.mulf %exp3A_222, %div3A_230 : vector<16xf32>
      %bitcast_convert_type3A_237 = tpu.bitcast %add3A_227 : vector<16xf32> -> vector<16xi32>
      %shift_right_arithmetic3A_238 = arith.constant 23 : i32
      %shift_right_arithmetic3A_239 = vector.broadcast %shift_right_arithmetic3A_238 : i32 to vector<16xi32>
      %shift_right_arithmetic3A_240 = arith.shrsi %bitcast_convert_type3A_237, %shift_right_arithmetic3A_239 : vector<16xi32>
      %sub3A_241 = arith.constant 127 : i32
      %sub3A_242 = vector.broadcast %sub3A_241 : i32 to vector<16xi32>
      %sub3A_243 = arith.subi %shift_right_arithmetic3A_240, %sub3A_242 : vector<16xi32>
      %and3A_244 = arith.constant 8388607 : i32
      %and3A_245 = vector.broadcast %and3A_244 : i32 to vector<16xi32>
      %and3A_246 = arith.andi %bitcast_convert_type3A_237, %and3A_245 : vector<16xi32>
      %or3A_247 = arith.constant 1065353216 : i32
      %or3A_248 = vector.broadcast %or3A_247 : i32 to vector<16xi32>
      %or3A_249 = arith.ori %and3A_246, %or3A_248 : vector<16xi32>
      %bitcast_convert_type3A_250 = tpu.bitcast %or3A_249 : vector<16xi32> -> vector<16xf32>
      %sub3A_251 = arith.constant 1.000000e+00 : f32
      %sub3A_252 = vector.broadcast %sub3A_251 : f32 to vector<16xf32>
      %sub3A_253 = arith.subf %bitcast_convert_type3A_250, %sub3A_252 : vector<16xf32>
      %add3A_254 = arith.constant 1.000000e+00 : f32
      %add3A_255 = vector.broadcast %add3A_254 : f32 to vector<16xf32>
      %add3A_256 = arith.addf %bitcast_convert_type3A_250, %add3A_255 : vector<16xf32>
      %div3A_257 = arith.divf %sub3A_253, %add3A_256 : vector<16xf32>
      %mul3A_258 = arith.mulf %div3A_257, %div3A_257 : vector<16xf32>
      %mul3A_259 = arith.constant 2.000000e+00 : f32
      %mul3A_260 = vector.broadcast %mul3A_259 : f32 to vector<16xf32>
      %mul3A_261 = arith.mulf %mul3A_260, %div3A_257 : vector<16xf32>
      %div3A_262 = arith.constant 9.000000e+00 : f32
      %div3A_263 = vector.broadcast %div3A_262 : f32 to vector<16xf32>
      %div3A_264 = arith.divf %mul3A_258, %div3A_263 : vector<16xf32>
      %add3A_265 = arith.constant 0.142857149 : f32
      %add3A_266 = vector.broadcast %add3A_265 : f32 to vector<16xf32>
      %add3A_267 = arith.addf %add3A_266, %div3A_264 : vector<16xf32>
      %mul3A_268 = arith.mulf %mul3A_258, %add3A_267 : vector<16xf32>
      %add3A_269 = arith.constant 2.000000e-01 : f32
      %add3A_270 = vector.broadcast %add3A_269 : f32 to vector<16xf32>
      %add3A_271 = arith.addf %add3A_270, %mul3A_268 : vector<16xf32>
      %mul3A_272 = arith.mulf %mul3A_258, %add3A_271 : vector<16xf32>
      %add3A_273 = arith.constant 0.333333343 : f32
      %add3A_274 = vector.broadcast %add3A_273 : f32 to vector<16xf32>
      %add3A_275 = arith.addf %add3A_274, %mul3A_272 : vector<16xf32>
      %mul3A_276 = arith.mulf %mul3A_258, %add3A_275 : vector<16xf32>
      %add3A_277 = arith.constant 1.000000e+00 : f32
      %add3A_278 = vector.broadcast %add3A_277 : f32 to vector<16xf32>
      %add3A_279 = arith.addf %add3A_278, %mul3A_276 : vector<16xf32>
      %mul3A_280 = arith.mulf %mul3A_261, %add3A_279 : vector<16xf32>
      %convert_element_type3A_281 = arith.sitofp %sub3A_243 : vector<16xi32> to vector<16xf32>
      %mul3A_282 = arith.constant 0.693147182 : f32
      %mul3A_283 = vector.broadcast %mul3A_282 : f32 to vector<16xf32>
      %mul3A_284 = arith.mulf %convert_element_type3A_281, %mul3A_283 : vector<16xf32>
      %add3A_285 = arith.addf %mul3A_284, %mul3A_280 : vector<16xf32>
      %mul3A_286 = arith.mulf %mul3A_231, %sub3A_211 : vector<16xf32>
      %mul3A_287 = arith.mulf %mul3A_232, %sub3A_212 : vector<16xf32>
      %add3A_288 = arith.addf %mul3A_286, %mul3A_287 : vector<16xf32>
      %add3A_289 = arith.addf %sub3A_211, %sub3A_212 : vector<16xf32>
      %mul3A_290 = arith.mulf %mul3A_233, %sub3A_213 : vector<16xf32>
      %add3A_291 = arith.addf %add3A_288, %mul3A_290 : vector<16xf32>
      %add3A_292 = arith.addf %add3A_289, %sub3A_213 : vector<16xf32>
      %mul3A_293 = arith.mulf %mul3A_234, %sub3A_214 : vector<16xf32>
      %add3A_294 = arith.addf %add3A_291, %mul3A_293 : vector<16xf32>
      %add3A_295 = arith.addf %add3A_292, %sub3A_214 : vector<16xf32>
      %mul3A_296 = arith.mulf %mul3A_235, %sub3A_215 : vector<16xf32>
      %add3A_297 = arith.addf %add3A_294, %mul3A_296 : vector<16xf32>
      %add3A_298 = arith.addf %add3A_295, %sub3A_215 : vector<16xf32>
      %mul3A_299 = arith.mulf %mul3A_236, %sub3A_216 : vector<16xf32>
      %add3A_300 = arith.addf %add3A_297, %mul3A_299 : vector<16xf32>
      %add3A_301 = arith.addf %add3A_298, %sub3A_216 : vector<16xf32>
      %neg3A_302 = arith.constant 0.000000e+00 : f32
      %neg3A_303 = vector.broadcast %neg3A_302 : f32 to vector<16xf32>
      %neg3A_304 = arith.subf %neg3A_303, %add3A_300 : vector<16xf32>
      %mul3A_305 = arith.constant 1.00000012 : f32
      %mul3A_306 = vector.broadcast %mul3A_305 : f32 to vector<16xf32>
      %mul3A_307 = arith.mulf %mul3A_306, %add3A_285 : vector<16xf32>
      %add3A_308 = arith.addf %neg3A_304, %mul3A_307 : vector<16xf32>
      %mul3A_309 = arith.constant 9.99999993E-9 : f32
      %mul3A_310 = vector.broadcast %mul3A_309 : f32 to vector<16xf32>
      %mul3A_311 = arith.mulf %mul3A_310, %add3A_301 : vector<16xf32>
      %sub3A_312 = arith.subf %add3A_308, %mul3A_311 : vector<16xf32>
      %add3A_313 = arith.addf %add3A_148, %sub3A_312 : vector<16xf32>
      %broadcast_in_dim3A_314 = arith.constant 0 : i32
      %broadcast_in_dim3A_315 = vector.broadcast %broadcast_in_dim3A_314 : i32 to vector<16xi32>
      %gt3A_316 = arith.cmpf ogt, %mul3A_232, %mul3A_231 : vector<16xf32>
      %select_n3A_317 = arith.select %gt3A_316, %mul3A_232, %mul3A_231 : vector<16xi1>, vector<16xf32>
      %jit3A_318 = arith.constant 1 : i32
      %broadcast_in_dim3A_319 = vector.broadcast %jit3A_318 : i32 to vector<16xi32>
      %select_n3A_320 = arith.select %gt3A_316, %broadcast_in_dim3A_319, %broadcast_in_dim3A_315 : vector<16xi1>, vector<16xi32>
      %gt3A_321 = arith.cmpf ogt, %mul3A_233, %select_n3A_317 : vector<16xf32>
      %select_n3A_322 = arith.select %gt3A_321, %mul3A_233, %select_n3A_317 : vector<16xi1>, vector<16xf32>
      %jit3A_323 = arith.constant 2 : i32
      %broadcast_in_dim3A_324 = vector.broadcast %jit3A_323 : i32 to vector<16xi32>
      %select_n3A_325 = arith.select %gt3A_321, %broadcast_in_dim3A_324, %select_n3A_320 : vector<16xi1>, vector<16xi32>
      %gt3A_326 = arith.cmpf ogt, %mul3A_234, %select_n3A_322 : vector<16xf32>
      %select_n3A_327 = arith.select %gt3A_326, %mul3A_234, %select_n3A_322 : vector<16xi1>, vector<16xf32>
      %jit3A_328 = arith.constant 3 : i32
      %broadcast_in_dim3A_329 = vector.broadcast %jit3A_328 : i32 to vector<16xi32>
      %select_n3A_330 = arith.select %gt3A_326, %broadcast_in_dim3A_329, %select_n3A_325 : vector<16xi1>, vector<16xi32>
      %gt3A_331 = arith.cmpf ogt, %mul3A_235, %select_n3A_327 : vector<16xf32>
      %select_n3A_332 = arith.select %gt3A_331, %mul3A_235, %select_n3A_327 : vector<16xi1>, vector<16xf32>
      %jit3A_333 = arith.constant 4 : i32
      %broadcast_in_dim3A_334 = vector.broadcast %jit3A_333 : i32 to vector<16xi32>
      %select_n3A_335 = arith.select %gt3A_331, %broadcast_in_dim3A_334, %select_n3A_330 : vector<16xi1>, vector<16xi32>
      %gt3A_336 = arith.cmpf ogt, %mul3A_236, %select_n3A_332 : vector<16xf32>
      %select_n3A_337 = arith.select %gt3A_336, %mul3A_236, %select_n3A_332 : vector<16xi1>, vector<16xf32>
      %jit3A_338 = arith.constant 5 : i32
      %broadcast_in_dim3A_339 = vector.broadcast %jit3A_338 : i32 to vector<16xi32>
      %select_n3A_340 = arith.select %gt3A_336, %broadcast_in_dim3A_339, %select_n3A_335 : vector<16xi1>, vector<16xi32>
      %add3A_341 = vector.broadcast %multiple_of3A_181 : i32 to vector<16xi32>
      %add3A_342 = arith.addi %iota3A, %add3A_341 : vector<16xi32>
      %broadcast_in_dim3A_343 = arith.constant 0 : i32
      %broadcast_in_dim3A_344 = vector.broadcast %broadcast_in_dim3A_343 : i32 to vector<16xi32>
      tpu.vector_store_idx %arg6[%add3A_342, %broadcast_in_dim3A_344], %select_n3A_340 : memref<512x3xi32, #tpu.memory_space<vmem>>[vector<16xi32>, vector<16xi32>], vector<16xi32>,
      scf.yield %add3A_313 : vector<16xf32>
    }
    %scan3A_8 = arith.constant 16 : i32
    %scan3A_9 = arith.constant 0 : i32
    %scan3A_10 = arith.constant 16 : i32
    %scan3A_11 = arith.addi %scan3A_9, %scan3A_10 : i32
    %scan3A_12 = arith.constant 1 : i32
    %scan3A_13 = scf.for %scan3A_22 = %scan3A_9 to %scan3A_11 step %scan3A_12 iter_args(%scan3A_23 = %scan3A_7) -> (vector<16xf32>)  : i32 {
      %mul3A_24 = arith.constant 32 : i32
      %mul3A_25 = arith.muli %scan3A_22, %mul3A_24 : i32
      %add3A_26 = arith.constant 0 : i32
      %add3A_27 = arith.addi %mul3A_25, %add3A_26 : i32
      %multiple_of3A = tpu.assume_multiple %add3A_27, 16 : i32
      %get3A = arith.constant 8 : i32
      %get3A_28 = arith.index_cast %get3A : i32 to index
      %get3A_29 = arith.index_cast %multiple_of3A : i32 to index
      %get3A_30 = tpu.vector_load %arg5[%get3A_28, %get3A_29] {strides = array<i32>} : memref<24x512xf32, #tpu.memory_space<vmem>>, vector<16xf32>,
      %get3A_31 = arith.constant 9 : i32
      %get3A_32 = arith.index_cast %get3A_31 : i32 to index
      %get3A_33 = arith.index_cast %multiple_of3A : i32 to index
      %get3A_34 = tpu.vector_load %arg5[%get3A_32, %get3A_33] {strides = array<i32>} : memref<24x512xf32, #tpu.memory_space<vmem>>, vector<16xf32>,
      %get3A_35 = arith.constant 10 : i32
      %get3A_36 = arith.index_cast %get3A_35 : i32 to index
      %get3A_37 = arith.index_cast %multiple_of3A : i32 to index
      %get3A_38 = tpu.vector_load %arg5[%get3A_36, %get3A_37] {strides = array<i32>} : memref<24x512xf32, #tpu.memory_space<vmem>>, vector<16xf32>,
      %get3A_39 = arith.constant 11 : i32
      %get3A_40 = arith.index_cast %get3A_39 : i32 to index
      %get3A_41 = arith.index_cast %multiple_of3A : i32 to index
      %get3A_42 = tpu.vector_load %arg5[%get3A_40, %get3A_41] {strides = array<i32>} : memref<24x512xf32, #tpu.memory_space<vmem>>, vector<16xf32>,
      %get3A_43 = arith.constant 12 : i32
      %get3A_44 = arith.index_cast %get3A_43 : i32 to index
      %get3A_45 = arith.index_cast %multiple_of3A : i32 to index
      %get3A_46 = tpu.vector_load %arg5[%get3A_44, %get3A_45] {strides = array<i32>} : memref<24x512xf32, #tpu.memory_space<vmem>>, vector<16xf32>,
      %get3A_47 = arith.constant 13 : i32
      %get3A_48 = arith.index_cast %get3A_47 : i32 to index
      %get3A_49 = arith.index_cast %multiple_of3A : i32 to index
      %get3A_50 = tpu.vector_load %arg5[%get3A_48, %get3A_49] {strides = array<i32>} : memref<24x512xf32, #tpu.memory_space<vmem>>, vector<16xf32>,
      %max3A = arith.maximumf %get3A_30, %get3A_34 : vector<16xf32>
      %max3A_51 = arith.maximumf %max3A, %get3A_38 : vector<16xf32>
      %max3A_52 = arith.maximumf %max3A_51, %get3A_42 : vector<16xf32>
      %max3A_53 = arith.maximumf %max3A_52, %get3A_46 : vector<16xf32>
      %max3A_54 = arith.maximumf %max3A_53, %get3A_50 : vector<16xf32>
      %sub3A = arith.subf %get3A_30, %max3A_54 : vector<16xf32>
      %sub3A_55 = arith.subf %get3A_34, %max3A_54 : vector<16xf32>
      %sub3A_56 = arith.subf %get3A_38, %max3A_54 : vector<16xf32>
      %sub3A_57 = arith.subf %get3A_42, %max3A_54 : vector<16xf32>
      %sub3A_58 = arith.subf %get3A_46, %max3A_54 : vector<16xf32>
      %sub3A_59 = arith.subf %get3A_50, %max3A_54 : vector<16xf32>
      %exp3A = math.exp %sub3A : vector<16xf32>
      %exp3A_60 = math.exp %sub3A_55 : vector<16xf32>
      %exp3A_61 = math.exp %sub3A_56 : vector<16xf32>
      %exp3A_62 = math.exp %sub3A_57 : vector<16xf32>
      %exp3A_63 = math.exp %sub3A_58 : vector<16xf32>
      %exp3A_64 = math.exp %sub3A_59 : vector<16xf32>
      %add3A_65 = arith.addf %exp3A, %exp3A_60 : vector<16xf32>
      %add3A_66 = arith.addf %add3A_65, %exp3A_61 : vector<16xf32>
      %add3A_67 = arith.addf %add3A_66, %exp3A_62 : vector<16xf32>
      %add3A_68 = arith.addf %add3A_67, %exp3A_63 : vector<16xf32>
      %add3A_69 = arith.addf %add3A_68, %exp3A_64 : vector<16xf32>
      %div3A = arith.constant 1.000000e+00 : f32
      %div3A_70 = vector.broadcast %div3A : f32 to vector<16xf32>
      %div3A_71 = arith.divf %div3A_70, %add3A_69 : vector<16xf32>
      %mul3A_72 = arith.mulf %exp3A, %div3A_71 : vector<16xf32>
      %mul3A_73 = arith.mulf %exp3A_60, %div3A_71 : vector<16xf32>
      %mul3A_74 = arith.mulf %exp3A_61, %div3A_71 : vector<16xf32>
      %mul3A_75 = arith.mulf %exp3A_62, %div3A_71 : vector<16xf32>
      %mul3A_76 = arith.mulf %exp3A_63, %div3A_71 : vector<16xf32>
      %mul3A_77 = arith.mulf %exp3A_64, %div3A_71 : vector<16xf32>
      %bitcast_convert_type3A = tpu.bitcast %add3A_69 : vector<16xf32> -> vector<16xi32>
      %shift_right_arithmetic3A = arith.constant 23 : i32
      %shift_right_arithmetic3A_78 = vector.broadcast %shift_right_arithmetic3A : i32 to vector<16xi32>
      %shift_right_arithmetic3A_79 = arith.shrsi %bitcast_convert_type3A, %shift_right_arithmetic3A_78 : vector<16xi32>
      %sub3A_80 = arith.constant 127 : i32
      %sub3A_81 = vector.broadcast %sub3A_80 : i32 to vector<16xi32>
      %sub3A_82 = arith.subi %shift_right_arithmetic3A_79, %sub3A_81 : vector<16xi32>
      %and3A = arith.constant 8388607 : i32
      %and3A_83 = vector.broadcast %and3A : i32 to vector<16xi32>
      %and3A_84 = arith.andi %bitcast_convert_type3A, %and3A_83 : vector<16xi32>
      %or3A = arith.constant 1065353216 : i32
      %or3A_85 = vector.broadcast %or3A : i32 to vector<16xi32>
      %or3A_86 = arith.ori %and3A_84, %or3A_85 : vector<16xi32>
      %bitcast_convert_type3A_87 = tpu.bitcast %or3A_86 : vector<16xi32> -> vector<16xf32>
      %sub3A_88 = arith.constant 1.000000e+00 : f32
      %sub3A_89 = vector.broadcast %sub3A_88 : f32 to vector<16xf32>
      %sub3A_90 = arith.subf %bitcast_convert_type3A_87, %sub3A_89 : vector<16xf32>
      %add3A_91 = arith.constant 1.000000e+00 : f32
      %add3A_92 = vector.broadcast %add3A_91 : f32 to vector<16xf32>
      %add3A_93 = arith.addf %bitcast_convert_type3A_87, %add3A_92 : vector<16xf32>
      %div3A_94 = arith.divf %sub3A_90, %add3A_93 : vector<16xf32>
      %mul3A_95 = arith.mulf %div3A_94, %div3A_94 : vector<16xf32>
      %mul3A_96 = arith.constant 2.000000e+00 : f32
      %mul3A_97 = vector.broadcast %mul3A_96 : f32 to vector<16xf32>
      %mul3A_98 = arith.mulf %mul3A_97, %div3A_94 : vector<16xf32>
      %div3A_99 = arith.constant 9.000000e+00 : f32
      %div3A_100 = vector.broadcast %div3A_99 : f32 to vector<16xf32>
      %div3A_101 = arith.divf %mul3A_95, %div3A_100 : vector<16xf32>
      %add3A_102 = arith.constant 0.142857149 : f32
      %add3A_103 = vector.broadcast %add3A_102 : f32 to vector<16xf32>
      %add3A_104 = arith.addf %add3A_103, %div3A_101 : vector<16xf32>
      %mul3A_105 = arith.mulf %mul3A_95, %add3A_104 : vector<16xf32>
      %add3A_106 = arith.constant 2.000000e-01 : f32
      %add3A_107 = vector.broadcast %add3A_106 : f32 to vector<16xf32>
      %add3A_108 = arith.addf %add3A_107, %mul3A_105 : vector<16xf32>
      %mul3A_109 = arith.mulf %mul3A_95, %add3A_108 : vector<16xf32>
      %add3A_110 = arith.constant 0.333333343 : f32
      %add3A_111 = vector.broadcast %add3A_110 : f32 to vector<16xf32>
      %add3A_112 = arith.addf %add3A_111, %mul3A_109 : vector<16xf32>
      %mul3A_113 = arith.mulf %mul3A_95, %add3A_112 : vector<16xf32>
      %add3A_114 = arith.constant 1.000000e+00 : f32
      %add3A_115 = vector.broadcast %add3A_114 : f32 to vector<16xf32>
      %add3A_116 = arith.addf %add3A_115, %mul3A_113 : vector<16xf32>
      %mul3A_117 = arith.mulf %mul3A_98, %add3A_116 : vector<16xf32>
      %convert_element_type3A = arith.sitofp %sub3A_82 : vector<16xi32> to vector<16xf32>
      %mul3A_118 = arith.constant 0.693147182 : f32
      %mul3A_119 = vector.broadcast %mul3A_118 : f32 to vector<16xf32>
      %mul3A_120 = arith.mulf %convert_element_type3A, %mul3A_119 : vector<16xf32>
      %add3A_121 = arith.addf %mul3A_120, %mul3A_117 : vector<16xf32>
      %mul3A_122 = arith.mulf %mul3A_72, %sub3A : vector<16xf32>
      %mul3A_123 = arith.mulf %mul3A_73, %sub3A_55 : vector<16xf32>
      %add3A_124 = arith.addf %mul3A_122, %mul3A_123 : vector<16xf32>
      %add3A_125 = arith.addf %sub3A, %sub3A_55 : vector<16xf32>
      %mul3A_126 = arith.mulf %mul3A_74, %sub3A_56 : vector<16xf32>
      %add3A_127 = arith.addf %add3A_124, %mul3A_126 : vector<16xf32>
      %add3A_128 = arith.addf %add3A_125, %sub3A_56 : vector<16xf32>
      %mul3A_129 = arith.mulf %mul3A_75, %sub3A_57 : vector<16xf32>
      %add3A_130 = arith.addf %add3A_127, %mul3A_129 : vector<16xf32>
      %add3A_131 = arith.addf %add3A_128, %sub3A_57 : vector<16xf32>
      %mul3A_132 = arith.mulf %mul3A_76, %sub3A_58 : vector<16xf32>
      %add3A_133 = arith.addf %add3A_130, %mul3A_132 : vector<16xf32>
      %add3A_134 = arith.addf %add3A_131, %sub3A_58 : vector<16xf32>
      %mul3A_135 = arith.mulf %mul3A_77, %sub3A_59 : vector<16xf32>
      %add3A_136 = arith.addf %add3A_133, %mul3A_135 : vector<16xf32>
      %add3A_137 = arith.addf %add3A_134, %sub3A_59 : vector<16xf32>
      %neg3A = arith.constant 0.000000e+00 : f32
      %neg3A_138 = vector.broadcast %neg3A : f32 to vector<16xf32>
      %neg3A_139 = arith.subf %neg3A_138, %add3A_136 : vector<16xf32>
      %mul3A_140 = arith.constant 1.00000012 : f32
      %mul3A_141 = vector.broadcast %mul3A_140 : f32 to vector<16xf32>
      %mul3A_142 = arith.mulf %mul3A_141, %add3A_121 : vector<16xf32>
      %add3A_143 = arith.addf %neg3A_139, %mul3A_142 : vector<16xf32>
      %mul3A_144 = arith.constant 9.99999993E-9 : f32
      %mul3A_145 = vector.broadcast %mul3A_144 : f32 to vector<16xf32>
      %mul3A_146 = arith.mulf %mul3A_145, %add3A_137 : vector<16xf32>
      %sub3A_147 = arith.subf %add3A_143, %mul3A_146 : vector<16xf32>
      %add3A_148 = arith.addf %scan3A_23, %sub3A_147 : vector<16xf32>
      %broadcast_in_dim3A_149 = arith.constant 0 : i32
      %broadcast_in_dim3A_150 = vector.broadcast %broadcast_in_dim3A_149 : i32 to vector<16xi32>
      %gt3A = arith.cmpf ogt, %mul3A_73, %mul3A_72 : vector<16xf32>
      %select_n3A = arith.select %gt3A, %mul3A_73, %mul3A_72 : vector<16xi1>, vector<16xf32>
      %jit3A = arith.constant 1 : i32
      %broadcast_in_dim3A_151 = vector.broadcast %jit3A : i32 to vector<16xi32>
      %select_n3A_152 = arith.select %gt3A, %broadcast_in_dim3A_151, %broadcast_in_dim3A_150 : vector<16xi1>, vector<16xi32>
      %gt3A_153 = arith.cmpf ogt, %mul3A_74, %select_n3A : vector<16xf32>
      %select_n3A_154 = arith.select %gt3A_153, %mul3A_74, %select_n3A : vector<16xi1>, vector<16xf32>
      %jit3A_155 = arith.constant 2 : i32
      %broadcast_in_dim3A_156 = vector.broadcast %jit3A_155 : i32 to vector<16xi32>
      %select_n3A_157 = arith.select %gt3A_153, %broadcast_in_dim3A_156, %select_n3A_152 : vector<16xi1>, vector<16xi32>
      %gt3A_158 = arith.cmpf ogt, %mul3A_75, %select_n3A_154 : vector<16xf32>
      %select_n3A_159 = arith.select %gt3A_158, %mul3A_75, %select_n3A_154 : vector<16xi1>, vector<16xf32>
      %jit3A_160 = arith.constant 3 : i32
      %broadcast_in_dim3A_161 = vector.broadcast %jit3A_160 : i32 to vector<16xi32>
      %select_n3A_162 = arith.select %gt3A_158, %broadcast_in_dim3A_161, %select_n3A_157 : vector<16xi1>, vector<16xi32>
      %gt3A_163 = arith.cmpf ogt, %mul3A_76, %select_n3A_159 : vector<16xf32>
      %select_n3A_164 = arith.select %gt3A_163, %mul3A_76, %select_n3A_159 : vector<16xi1>, vector<16xf32>
      %jit3A_165 = arith.constant 4 : i32
      %broadcast_in_dim3A_166 = vector.broadcast %jit3A_165 : i32 to vector<16xi32>
      %select_n3A_167 = arith.select %gt3A_163, %broadcast_in_dim3A_166, %select_n3A_162 : vector<16xi1>, vector<16xi32>
      %gt3A_168 = arith.cmpf ogt, %mul3A_77, %select_n3A_164 : vector<16xf32>
      %select_n3A_169 = arith.select %gt3A_168, %mul3A_77, %select_n3A_164 : vector<16xi1>, vector<16xf32>
      %jit3A_170 = arith.constant 5 : i32
      %broadcast_in_dim3A_171 = vector.broadcast %jit3A_170 : i32 to vector<16xi32>
      %select_n3A_172 = arith.select %gt3A_168, %broadcast_in_dim3A_171, %select_n3A_167 : vector<16xi1>, vector<16xi32>
      %add3A_173 = vector.broadcast %multiple_of3A : i32 to vector<16xi32>
      %add3A_174 = arith.addi %iota3A, %add3A_173 : vector<16xi32>
      %broadcast_in_dim3A_175 = arith.constant 1 : i32
      %broadcast_in_dim3A_176 = vector.broadcast %broadcast_in_dim3A_175 : i32 to vector<16xi32>
      tpu.vector_store_idx %arg6[%add3A_174, %broadcast_in_dim3A_176], %select_n3A_172 : memref<512x3xi32, #tpu.memory_space<vmem>>[vector<16xi32>, vector<16xi32>], vector<16xi32>,
      %mul3A_177 = arith.constant 32 : i32
      %mul3A_178 = arith.muli %scan3A_22, %mul3A_177 : i32
      %add3A_179 = arith.constant 16 : i32
      %add3A_180 = arith.addi %mul3A_178, %add3A_179 : i32
      %multiple_of3A_181 = tpu.assume_multiple %add3A_180, 16 : i32
      %get3A_182 = arith.constant 8 : i32
      %get3A_183 = arith.index_cast %get3A_182 : i32 to index
      %get3A_184 = arith.index_cast %multiple_of3A_181 : i32 to index
      %get3A_185 = tpu.vector_load %arg5[%get3A_183, %get3A_184] {strides = array<i32>} : memref<24x512xf32, #tpu.memory_space<vmem>>, vector<16xf32>,
      %get3A_186 = arith.constant 9 : i32
      %get3A_187 = arith.index_cast %get3A_186 : i32 to index
      %get3A_188 = arith.index_cast %multiple_of3A_181 : i32 to index
      %get3A_189 = tpu.vector_load %arg5[%get3A_187, %get3A_188] {strides = array<i32>} : memref<24x512xf32, #tpu.memory_space<vmem>>, vector<16xf32>,
      %get3A_190 = arith.constant 10 : i32
      %get3A_191 = arith.index_cast %get3A_190 : i32 to index
      %get3A_192 = arith.index_cast %multiple_of3A_181 : i32 to index
      %get3A_193 = tpu.vector_load %arg5[%get3A_191, %get3A_192] {strides = array<i32>} : memref<24x512xf32, #tpu.memory_space<vmem>>, vector<16xf32>,
      %get3A_194 = arith.constant 11 : i32
      %get3A_195 = arith.index_cast %get3A_194 : i32 to index
      %get3A_196 = arith.index_cast %multiple_of3A_181 : i32 to index
      %get3A_197 = tpu.vector_load %arg5[%get3A_195, %get3A_196] {strides = array<i32>} : memref<24x512xf32, #tpu.memory_space<vmem>>, vector<16xf32>,
      %get3A_198 = arith.constant 12 : i32
      %get3A_199 = arith.index_cast %get3A_198 : i32 to index
      %get3A_200 = arith.index_cast %multiple_of3A_181 : i32 to index
      %get3A_201 = tpu.vector_load %arg5[%get3A_199, %get3A_200] {strides = array<i32>} : memref<24x512xf32, #tpu.memory_space<vmem>>, vector<16xf32>,
      %get3A_202 = arith.constant 13 : i32
      %get3A_203 = arith.index_cast %get3A_202 : i32 to index
      %get3A_204 = arith.index_cast %multiple_of3A_181 : i32 to index
      %get3A_205 = tpu.vector_load %arg5[%get3A_203, %get3A_204] {strides = array<i32>} : memref<24x512xf32, #tpu.memory_space<vmem>>, vector<16xf32>,
      %max3A_206 = arith.maximumf %get3A_185, %get3A_189 : vector<16xf32>
      %max3A_207 = arith.maximumf %max3A_206, %get3A_193 : vector<16xf32>
      %max3A_208 = arith.maximumf %max3A_207, %get3A_197 : vector<16xf32>
      %max3A_209 = arith.maximumf %max3A_208, %get3A_201 : vector<16xf32>
      %max3A_210 = arith.maximumf %max3A_209, %get3A_205 : vector<16xf32>
      %sub3A_211 = arith.subf %get3A_185, %max3A_210 : vector<16xf32>
      %sub3A_212 = arith.subf %get3A_189, %max3A_210 : vector<16xf32>
      %sub3A_213 = arith.subf %get3A_193, %max3A_210 : vector<16xf32>
      %sub3A_214 = arith.subf %get3A_197, %max3A_210 : vector<16xf32>
      %sub3A_215 = arith.subf %get3A_201, %max3A_210 : vector<16xf32>
      %sub3A_216 = arith.subf %get3A_205, %max3A_210 : vector<16xf32>
      %exp3A_217 = math.exp %sub3A_211 : vector<16xf32>
      %exp3A_218 = math.exp %sub3A_212 : vector<16xf32>
      %exp3A_219 = math.exp %sub3A_213 : vector<16xf32>
      %exp3A_220 = math.exp %sub3A_214 : vector<16xf32>
      %exp3A_221 = math.exp %sub3A_215 : vector<16xf32>
      %exp3A_222 = math.exp %sub3A_216 : vector<16xf32>
      %add3A_223 = arith.addf %exp3A_217, %exp3A_218 : vector<16xf32>
      %add3A_224 = arith.addf %add3A_223, %exp3A_219 : vector<16xf32>
      %add3A_225 = arith.addf %add3A_224, %exp3A_220 : vector<16xf32>
      %add3A_226 = arith.addf %add3A_225, %exp3A_221 : vector<16xf32>
      %add3A_227 = arith.addf %add3A_226, %exp3A_222 : vector<16xf32>
      %div3A_228 = arith.constant 1.000000e+00 : f32
      %div3A_229 = vector.broadcast %div3A_228 : f32 to vector<16xf32>
      %div3A_230 = arith.divf %div3A_229, %add3A_227 : vector<16xf32>
      %mul3A_231 = arith.mulf %exp3A_217, %div3A_230 : vector<16xf32>
      %mul3A_232 = arith.mulf %exp3A_218, %div3A_230 : vector<16xf32>
      %mul3A_233 = arith.mulf %exp3A_219, %div3A_230 : vector<16xf32>
      %mul3A_234 = arith.mulf %exp3A_220, %div3A_230 : vector<16xf32>
      %mul3A_235 = arith.mulf %exp3A_221, %div3A_230 : vector<16xf32>
      %mul3A_236 = arith.mulf %exp3A_222, %div3A_230 : vector<16xf32>
      %bitcast_convert_type3A_237 = tpu.bitcast %add3A_227 : vector<16xf32> -> vector<16xi32>
      %shift_right_arithmetic3A_238 = arith.constant 23 : i32
      %shift_right_arithmetic3A_239 = vector.broadcast %shift_right_arithmetic3A_238 : i32 to vector<16xi32>
      %shift_right_arithmetic3A_240 = arith.shrsi %bitcast_convert_type3A_237, %shift_right_arithmetic3A_239 : vector<16xi32>
      %sub3A_241 = arith.constant 127 : i32
      %sub3A_242 = vector.broadcast %sub3A_241 : i32 to vector<16xi32>
      %sub3A_243 = arith.subi %shift_right_arithmetic3A_240, %sub3A_242 : vector<16xi32>
      %and3A_244 = arith.constant 8388607 : i32
      %and3A_245 = vector.broadcast %and3A_244 : i32 to vector<16xi32>
      %and3A_246 = arith.andi %bitcast_convert_type3A_237, %and3A_245 : vector<16xi32>
      %or3A_247 = arith.constant 1065353216 : i32
      %or3A_248 = vector.broadcast %or3A_247 : i32 to vector<16xi32>
      %or3A_249 = arith.ori %and3A_246, %or3A_248 : vector<16xi32>
      %bitcast_convert_type3A_250 = tpu.bitcast %or3A_249 : vector<16xi32> -> vector<16xf32>
      %sub3A_251 = arith.constant 1.000000e+00 : f32
      %sub3A_252 = vector.broadcast %sub3A_251 : f32 to vector<16xf32>
      %sub3A_253 = arith.subf %bitcast_convert_type3A_250, %sub3A_252 : vector<16xf32>
      %add3A_254 = arith.constant 1.000000e+00 : f32
      %add3A_255 = vector.broadcast %add3A_254 : f32 to vector<16xf32>
      %add3A_256 = arith.addf %bitcast_convert_type3A_250, %add3A_255 : vector<16xf32>
      %div3A_257 = arith.divf %sub3A_253, %add3A_256 : vector<16xf32>
      %mul3A_258 = arith.mulf %div3A_257, %div3A_257 : vector<16xf32>
      %mul3A_259 = arith.constant 2.000000e+00 : f32
      %mul3A_260 = vector.broadcast %mul3A_259 : f32 to vector<16xf32>
      %mul3A_261 = arith.mulf %mul3A_260, %div3A_257 : vector<16xf32>
      %div3A_262 = arith.constant 9.000000e+00 : f32
      %div3A_263 = vector.broadcast %div3A_262 : f32 to vector<16xf32>
      %div3A_264 = arith.divf %mul3A_258, %div3A_263 : vector<16xf32>
      %add3A_265 = arith.constant 0.142857149 : f32
      %add3A_266 = vector.broadcast %add3A_265 : f32 to vector<16xf32>
      %add3A_267 = arith.addf %add3A_266, %div3A_264 : vector<16xf32>
      %mul3A_268 = arith.mulf %mul3A_258, %add3A_267 : vector<16xf32>
      %add3A_269 = arith.constant 2.000000e-01 : f32
      %add3A_270 = vector.broadcast %add3A_269 : f32 to vector<16xf32>
      %add3A_271 = arith.addf %add3A_270, %mul3A_268 : vector<16xf32>
      %mul3A_272 = arith.mulf %mul3A_258, %add3A_271 : vector<16xf32>
      %add3A_273 = arith.constant 0.333333343 : f32
      %add3A_274 = vector.broadcast %add3A_273 : f32 to vector<16xf32>
      %add3A_275 = arith.addf %add3A_274, %mul3A_272 : vector<16xf32>
      %mul3A_276 = arith.mulf %mul3A_258, %add3A_275 : vector<16xf32>
      %add3A_277 = arith.constant 1.000000e+00 : f32
      %add3A_278 = vector.broadcast %add3A_277 : f32 to vector<16xf32>
      %add3A_279 = arith.addf %add3A_278, %mul3A_276 : vector<16xf32>
      %mul3A_280 = arith.mulf %mul3A_261, %add3A_279 : vector<16xf32>
      %convert_element_type3A_281 = arith.sitofp %sub3A_243 : vector<16xi32> to vector<16xf32>
      %mul3A_282 = arith.constant 0.693147182 : f32
      %mul3A_283 = vector.broadcast %mul3A_282 : f32 to vector<16xf32>
      %mul3A_284 = arith.mulf %convert_element_type3A_281, %mul3A_283 : vector<16xf32>
      %add3A_285 = arith.addf %mul3A_284, %mul3A_280 : vector<16xf32>
      %mul3A_286 = arith.mulf %mul3A_231, %sub3A_211 : vector<16xf32>
      %mul3A_287 = arith.mulf %mul3A_232, %sub3A_212 : vector<16xf32>
      %add3A_288 = arith.addf %mul3A_286, %mul3A_287 : vector<16xf32>
      %add3A_289 = arith.addf %sub3A_211, %sub3A_212 : vector<16xf32>
      %mul3A_290 = arith.mulf %mul3A_233, %sub3A_213 : vector<16xf32>
      %add3A_291 = arith.addf %add3A_288, %mul3A_290 : vector<16xf32>
      %add3A_292 = arith.addf %add3A_289, %sub3A_213 : vector<16xf32>
      %mul3A_293 = arith.mulf %mul3A_234, %sub3A_214 : vector<16xf32>
      %add3A_294 = arith.addf %add3A_291, %mul3A_293 : vector<16xf32>
      %add3A_295 = arith.addf %add3A_292, %sub3A_214 : vector<16xf32>
      %mul3A_296 = arith.mulf %mul3A_235, %sub3A_215 : vector<16xf32>
      %add3A_297 = arith.addf %add3A_294, %mul3A_296 : vector<16xf32>
      %add3A_298 = arith.addf %add3A_295, %sub3A_215 : vector<16xf32>
      %mul3A_299 = arith.mulf %mul3A_236, %sub3A_216 : vector<16xf32>
      %add3A_300 = arith.addf %add3A_297, %mul3A_299 : vector<16xf32>
      %add3A_301 = arith.addf %add3A_298, %sub3A_216 : vector<16xf32>
      %neg3A_302 = arith.constant 0.000000e+00 : f32
      %neg3A_303 = vector.broadcast %neg3A_302 : f32 to vector<16xf32>
      %neg3A_304 = arith.subf %neg3A_303, %add3A_300 : vector<16xf32>
      %mul3A_305 = arith.constant 1.00000012 : f32
      %mul3A_306 = vector.broadcast %mul3A_305 : f32 to vector<16xf32>
      %mul3A_307 = arith.mulf %mul3A_306, %add3A_285 : vector<16xf32>
      %add3A_308 = arith.addf %neg3A_304, %mul3A_307 : vector<16xf32>
      %mul3A_309 = arith.constant 9.99999993E-9 : f32
      %mul3A_310 = vector.broadcast %mul3A_309 : f32 to vector<16xf32>
      %mul3A_311 = arith.mulf %mul3A_310, %add3A_301 : vector<16xf32>
      %sub3A_312 = arith.subf %add3A_308, %mul3A_311 : vector<16xf32>
      %add3A_313 = arith.addf %add3A_148, %sub3A_312 : vector<16xf32>
      %broadcast_in_dim3A_314 = arith.constant 0 : i32
      %broadcast_in_dim3A_315 = vector.broadcast %broadcast_in_dim3A_314 : i32 to vector<16xi32>
      %gt3A_316 = arith.cmpf ogt, %mul3A_232, %mul3A_231 : vector<16xf32>
      %select_n3A_317 = arith.select %gt3A_316, %mul3A_232, %mul3A_231 : vector<16xi1>, vector<16xf32>
      %jit3A_318 = arith.constant 1 : i32
      %broadcast_in_dim3A_319 = vector.broadcast %jit3A_318 : i32 to vector<16xi32>
      %select_n3A_320 = arith.select %gt3A_316, %broadcast_in_dim3A_319, %broadcast_in_dim3A_315 : vector<16xi1>, vector<16xi32>
      %gt3A_321 = arith.cmpf ogt, %mul3A_233, %select_n3A_317 : vector<16xf32>
      %select_n3A_322 = arith.select %gt3A_321, %mul3A_233, %select_n3A_317 : vector<16xi1>, vector<16xf32>
      %jit3A_323 = arith.constant 2 : i32
      %broadcast_in_dim3A_324 = vector.broadcast %jit3A_323 : i32 to vector<16xi32>
      %select_n3A_325 = arith.select %gt3A_321, %broadcast_in_dim3A_324, %select_n3A_320 : vector<16xi1>, vector<16xi32>
      %gt3A_326 = arith.cmpf ogt, %mul3A_234, %select_n3A_322 : vector<16xf32>
      %select_n3A_327 = arith.select %gt3A_326, %mul3A_234, %select_n3A_322 : vector<16xi1>, vector<16xf32>
      %jit3A_328 = arith.constant 3 : i32
      %broadcast_in_dim3A_329 = vector.broadcast %jit3A_328 : i32 to vector<16xi32>
      %select_n3A_330 = arith.select %gt3A_326, %broadcast_in_dim3A_329, %select_n3A_325 : vector<16xi1>, vector<16xi32>
      %gt3A_331 = arith.cmpf ogt, %mul3A_235, %select_n3A_327 : vector<16xf32>
      %select_n3A_332 = arith.select %gt3A_331, %mul3A_235, %select_n3A_327 : vector<16xi1>, vector<16xf32>
      %jit3A_333 = arith.constant 4 : i32
      %broadcast_in_dim3A_334 = vector.broadcast %jit3A_333 : i32 to vector<16xi32>
      %select_n3A_335 = arith.select %gt3A_331, %broadcast_in_dim3A_334, %select_n3A_330 : vector<16xi1>, vector<16xi32>
      %gt3A_336 = arith.cmpf ogt, %mul3A_236, %select_n3A_332 : vector<16xf32>
      %select_n3A_337 = arith.select %gt3A_336, %mul3A_236, %select_n3A_332 : vector<16xi1>, vector<16xf32>
      %jit3A_338 = arith.constant 5 : i32
      %broadcast_in_dim3A_339 = vector.broadcast %jit3A_338 : i32 to vector<16xi32>
      %select_n3A_340 = arith.select %gt3A_336, %broadcast_in_dim3A_339, %select_n3A_335 : vector<16xi1>, vector<16xi32>
      %add3A_341 = vector.broadcast %multiple_of3A_181 : i32 to vector<16xi32>
      %add3A_342 = arith.addi %iota3A, %add3A_341 : vector<16xi32>
      %broadcast_in_dim3A_343 = arith.constant 1 : i32
      %broadcast_in_dim3A_344 = vector.broadcast %broadcast_in_dim3A_343 : i32 to vector<16xi32>
      tpu.vector_store_idx %arg6[%add3A_342, %broadcast_in_dim3A_344], %select_n3A_340 : memref<512x3xi32, #tpu.memory_space<vmem>>[vector<16xi32>, vector<16xi32>], vector<16xi32>,
      scf.yield %add3A_313 : vector<16xf32>
    }
    %scan3A_14 = arith.constant 16 : i32
    %scan3A_15 = arith.constant 0 : i32
    %scan3A_16 = arith.constant 16 : i32
    %scan3A_17 = arith.addi %scan3A_15, %scan3A_16 : i32
    %scan3A_18 = arith.constant 1 : i32
    %scan3A_19 = scf.for %scan3A_22 = %scan3A_15 to %scan3A_17 step %scan3A_18 iter_args(%scan3A_23 = %scan3A_13) -> (vector<16xf32>)  : i32 {
      %mul3A_24 = arith.constant 32 : i32
      %mul3A_25 = arith.muli %scan3A_22, %mul3A_24 : i32
      %add3A_26 = arith.constant 0 : i32
      %add3A_27 = arith.addi %mul3A_25, %add3A_26 : i32
      %multiple_of3A = tpu.assume_multiple %add3A_27, 16 : i32
      %get3A = arith.constant 16 : i32
      %get3A_28 = arith.index_cast %get3A : i32 to index
      %get3A_29 = arith.index_cast %multiple_of3A : i32 to index
      %get3A_30 = tpu.vector_load %arg5[%get3A_28, %get3A_29] {strides = array<i32>} : memref<24x512xf32, #tpu.memory_space<vmem>>, vector<16xf32>,
      %get3A_31 = arith.constant 17 : i32
      %get3A_32 = arith.index_cast %get3A_31 : i32 to index
      %get3A_33 = arith.index_cast %multiple_of3A : i32 to index
      %get3A_34 = tpu.vector_load %arg5[%get3A_32, %get3A_33] {strides = array<i32>} : memref<24x512xf32, #tpu.memory_space<vmem>>, vector<16xf32>,
      %get3A_35 = arith.constant 18 : i32
      %get3A_36 = arith.index_cast %get3A_35 : i32 to index
      %get3A_37 = arith.index_cast %multiple_of3A : i32 to index
      %get3A_38 = tpu.vector_load %arg5[%get3A_36, %get3A_37] {strides = array<i32>} : memref<24x512xf32, #tpu.memory_space<vmem>>, vector<16xf32>,
      %get3A_39 = arith.constant 19 : i32
      %get3A_40 = arith.index_cast %get3A_39 : i32 to index
      %get3A_41 = arith.index_cast %multiple_of3A : i32 to index
      %get3A_42 = tpu.vector_load %arg5[%get3A_40, %get3A_41] {strides = array<i32>} : memref<24x512xf32, #tpu.memory_space<vmem>>, vector<16xf32>,
      %get3A_43 = arith.constant 20 : i32
      %get3A_44 = arith.index_cast %get3A_43 : i32 to index
      %get3A_45 = arith.index_cast %multiple_of3A : i32 to index
      %get3A_46 = tpu.vector_load %arg5[%get3A_44, %get3A_45] {strides = array<i32>} : memref<24x512xf32, #tpu.memory_space<vmem>>, vector<16xf32>,
      %get3A_47 = arith.constant 21 : i32
      %get3A_48 = arith.index_cast %get3A_47 : i32 to index
      %get3A_49 = arith.index_cast %multiple_of3A : i32 to index
      %get3A_50 = tpu.vector_load %arg5[%get3A_48, %get3A_49] {strides = array<i32>} : memref<24x512xf32, #tpu.memory_space<vmem>>, vector<16xf32>,
      %max3A = arith.maximumf %get3A_30, %get3A_34 : vector<16xf32>
      %max3A_51 = arith.maximumf %max3A, %get3A_38 : vector<16xf32>
      %max3A_52 = arith.maximumf %max3A_51, %get3A_42 : vector<16xf32>
      %max3A_53 = arith.maximumf %max3A_52, %get3A_46 : vector<16xf32>
      %max3A_54 = arith.maximumf %max3A_53, %get3A_50 : vector<16xf32>
      %sub3A = arith.subf %get3A_30, %max3A_54 : vector<16xf32>
      %sub3A_55 = arith.subf %get3A_34, %max3A_54 : vector<16xf32>
      %sub3A_56 = arith.subf %get3A_38, %max3A_54 : vector<16xf32>
      %sub3A_57 = arith.subf %get3A_42, %max3A_54 : vector<16xf32>
      %sub3A_58 = arith.subf %get3A_46, %max3A_54 : vector<16xf32>
      %sub3A_59 = arith.subf %get3A_50, %max3A_54 : vector<16xf32>
      %exp3A = math.exp %sub3A : vector<16xf32>
      %exp3A_60 = math.exp %sub3A_55 : vector<16xf32>
      %exp3A_61 = math.exp %sub3A_56 : vector<16xf32>
      %exp3A_62 = math.exp %sub3A_57 : vector<16xf32>
      %exp3A_63 = math.exp %sub3A_58 : vector<16xf32>
      %exp3A_64 = math.exp %sub3A_59 : vector<16xf32>
      %add3A_65 = arith.addf %exp3A, %exp3A_60 : vector<16xf32>
      %add3A_66 = arith.addf %add3A_65, %exp3A_61 : vector<16xf32>
      %add3A_67 = arith.addf %add3A_66, %exp3A_62 : vector<16xf32>
      %add3A_68 = arith.addf %add3A_67, %exp3A_63 : vector<16xf32>
      %add3A_69 = arith.addf %add3A_68, %exp3A_64 : vector<16xf32>
      %div3A = arith.constant 1.000000e+00 : f32
      %div3A_70 = vector.broadcast %div3A : f32 to vector<16xf32>
      %div3A_71 = arith.divf %div3A_70, %add3A_69 : vector<16xf32>
      %mul3A_72 = arith.mulf %exp3A, %div3A_71 : vector<16xf32>
      %mul3A_73 = arith.mulf %exp3A_60, %div3A_71 : vector<16xf32>
      %mul3A_74 = arith.mulf %exp3A_61, %div3A_71 : vector<16xf32>
      %mul3A_75 = arith.mulf %exp3A_62, %div3A_71 : vector<16xf32>
      %mul3A_76 = arith.mulf %exp3A_63, %div3A_71 : vector<16xf32>
      %mul3A_77 = arith.mulf %exp3A_64, %div3A_71 : vector<16xf32>
      %bitcast_convert_type3A = tpu.bitcast %add3A_69 : vector<16xf32> -> vector<16xi32>
      %shift_right_arithmetic3A = arith.constant 23 : i32
      %shift_right_arithmetic3A_78 = vector.broadcast %shift_right_arithmetic3A : i32 to vector<16xi32>
      %shift_right_arithmetic3A_79 = arith.shrsi %bitcast_convert_type3A, %shift_right_arithmetic3A_78 : vector<16xi32>
      %sub3A_80 = arith.constant 127 : i32
      %sub3A_81 = vector.broadcast %sub3A_80 : i32 to vector<16xi32>
      %sub3A_82 = arith.subi %shift_right_arithmetic3A_79, %sub3A_81 : vector<16xi32>
      %and3A = arith.constant 8388607 : i32
      %and3A_83 = vector.broadcast %and3A : i32 to vector<16xi32>
      %and3A_84 = arith.andi %bitcast_convert_type3A, %and3A_83 : vector<16xi32>
      %or3A = arith.constant 1065353216 : i32
      %or3A_85 = vector.broadcast %or3A : i32 to vector<16xi32>
      %or3A_86 = arith.ori %and3A_84, %or3A_85 : vector<16xi32>
      %bitcast_convert_type3A_87 = tpu.bitcast %or3A_86 : vector<16xi32> -> vector<16xf32>
      %sub3A_88 = arith.constant 1.000000e+00 : f32
      %sub3A_89 = vector.broadcast %sub3A_88 : f32 to vector<16xf32>
      %sub3A_90 = arith.subf %bitcast_convert_type3A_87, %sub3A_89 : vector<16xf32>
      %add3A_91 = arith.constant 1.000000e+00 : f32
      %add3A_92 = vector.broadcast %add3A_91 : f32 to vector<16xf32>
      %add3A_93 = arith.addf %bitcast_convert_type3A_87, %add3A_92 : vector<16xf32>
      %div3A_94 = arith.divf %sub3A_90, %add3A_93 : vector<16xf32>
      %mul3A_95 = arith.mulf %div3A_94, %div3A_94 : vector<16xf32>
      %mul3A_96 = arith.constant 2.000000e+00 : f32
      %mul3A_97 = vector.broadcast %mul3A_96 : f32 to vector<16xf32>
      %mul3A_98 = arith.mulf %mul3A_97, %div3A_94 : vector<16xf32>
      %div3A_99 = arith.constant 9.000000e+00 : f32
      %div3A_100 = vector.broadcast %div3A_99 : f32 to vector<16xf32>
      %div3A_101 = arith.divf %mul3A_95, %div3A_100 : vector<16xf32>
      %add3A_102 = arith.constant 0.142857149 : f32
      %add3A_103 = vector.broadcast %add3A_102 : f32 to vector<16xf32>
      %add3A_104 = arith.addf %add3A_103, %div3A_101 : vector<16xf32>
      %mul3A_105 = arith.mulf %mul3A_95, %add3A_104 : vector<16xf32>
      %add3A_106 = arith.constant 2.000000e-01 : f32
      %add3A_107 = vector.broadcast %add3A_106 : f32 to vector<16xf32>
      %add3A_108 = arith.addf %add3A_107, %mul3A_105 : vector<16xf32>
      %mul3A_109 = arith.mulf %mul3A_95, %add3A_108 : vector<16xf32>
      %add3A_110 = arith.constant 0.333333343 : f32
      %add3A_111 = vector.broadcast %add3A_110 : f32 to vector<16xf32>
      %add3A_112 = arith.addf %add3A_111, %mul3A_109 : vector<16xf32>
      %mul3A_113 = arith.mulf %mul3A_95, %add3A_112 : vector<16xf32>
      %add3A_114 = arith.constant 1.000000e+00 : f32
      %add3A_115 = vector.broadcast %add3A_114 : f32 to vector<16xf32>
      %add3A_116 = arith.addf %add3A_115, %mul3A_113 : vector<16xf32>
      %mul3A_117 = arith.mulf %mul3A_98, %add3A_116 : vector<16xf32>
      %convert_element_type3A = arith.sitofp %sub3A_82 : vector<16xi32> to vector<16xf32>
      %mul3A_118 = arith.constant 0.693147182 : f32
      %mul3A_119 = vector.broadcast %mul3A_118 : f32 to vector<16xf32>
      %mul3A_120 = arith.mulf %convert_element_type3A, %mul3A_119 : vector<16xf32>
      %add3A_121 = arith.addf %mul3A_120, %mul3A_117 : vector<16xf32>
      %mul3A_122 = arith.mulf %mul3A_72, %sub3A : vector<16xf32>
      %mul3A_123 = arith.mulf %mul3A_73, %sub3A_55 : vector<16xf32>
      %add3A_124 = arith.addf %mul3A_122, %mul3A_123 : vector<16xf32>
      %add3A_125 = arith.addf %sub3A, %sub3A_55 : vector<16xf32>
      %mul3A_126 = arith.mulf %mul3A_74, %sub3A_56 : vector<16xf32>
      %add3A_127 = arith.addf %add3A_124, %mul3A_126 : vector<16xf32>
      %add3A_128 = arith.addf %add3A_125, %sub3A_56 : vector<16xf32>
      %mul3A_129 = arith.mulf %mul3A_75, %sub3A_57 : vector<16xf32>
      %add3A_130 = arith.addf %add3A_127, %mul3A_129 : vector<16xf32>
      %add3A_131 = arith.addf %add3A_128, %sub3A_57 : vector<16xf32>
      %mul3A_132 = arith.mulf %mul3A_76, %sub3A_58 : vector<16xf32>
      %add3A_133 = arith.addf %add3A_130, %mul3A_132 : vector<16xf32>
      %add3A_134 = arith.addf %add3A_131, %sub3A_58 : vector<16xf32>
      %mul3A_135 = arith.mulf %mul3A_77, %sub3A_59 : vector<16xf32>
      %add3A_136 = arith.addf %add3A_133, %mul3A_135 : vector<16xf32>
      %add3A_137 = arith.addf %add3A_134, %sub3A_59 : vector<16xf32>
      %neg3A = arith.constant 0.000000e+00 : f32
      %neg3A_138 = vector.broadcast %neg3A : f32 to vector<16xf32>
      %neg3A_139 = arith.subf %neg3A_138, %add3A_136 : vector<16xf32>
      %mul3A_140 = arith.constant 1.00000012 : f32
      %mul3A_141 = vector.broadcast %mul3A_140 : f32 to vector<16xf32>
      %mul3A_142 = arith.mulf %mul3A_141, %add3A_121 : vector<16xf32>
      %add3A_143 = arith.addf %neg3A_139, %mul3A_142 : vector<16xf32>
      %mul3A_144 = arith.constant 9.99999993E-9 : f32
      %mul3A_145 = vector.broadcast %mul3A_144 : f32 to vector<16xf32>
      %mul3A_146 = arith.mulf %mul3A_145, %add3A_137 : vector<16xf32>
      %sub3A_147 = arith.subf %add3A_143, %mul3A_146 : vector<16xf32>
      %add3A_148 = arith.addf %scan3A_23, %sub3A_147 : vector<16xf32>
      %broadcast_in_dim3A_149 = arith.constant 0 : i32
      %broadcast_in_dim3A_150 = vector.broadcast %broadcast_in_dim3A_149 : i32 to vector<16xi32>
      %gt3A = arith.cmpf ogt, %mul3A_73, %mul3A_72 : vector<16xf32>
      %select_n3A = arith.select %gt3A, %mul3A_73, %mul3A_72 : vector<16xi1>, vector<16xf32>
      %jit3A = arith.constant 1 : i32
      %broadcast_in_dim3A_151 = vector.broadcast %jit3A : i32 to vector<16xi32>
      %select_n3A_152 = arith.select %gt3A, %broadcast_in_dim3A_151, %broadcast_in_dim3A_150 : vector<16xi1>, vector<16xi32>
      %gt3A_153 = arith.cmpf ogt, %mul3A_74, %select_n3A : vector<16xf32>
      %select_n3A_154 = arith.select %gt3A_153, %mul3A_74, %select_n3A : vector<16xi1>, vector<16xf32>
      %jit3A_155 = arith.constant 2 : i32
      %broadcast_in_dim3A_156 = vector.broadcast %jit3A_155 : i32 to vector<16xi32>
      %select_n3A_157 = arith.select %gt3A_153, %broadcast_in_dim3A_156, %select_n3A_152 : vector<16xi1>, vector<16xi32>
      %gt3A_158 = arith.cmpf ogt, %mul3A_75, %select_n3A_154 : vector<16xf32>
      %select_n3A_159 = arith.select %gt3A_158, %mul3A_75, %select_n3A_154 : vector<16xi1>, vector<16xf32>
      %jit3A_160 = arith.constant 3 : i32
      %broadcast_in_dim3A_161 = vector.broadcast %jit3A_160 : i32 to vector<16xi32>
      %select_n3A_162 = arith.select %gt3A_158, %broadcast_in_dim3A_161, %select_n3A_157 : vector<16xi1>, vector<16xi32>
      %gt3A_163 = arith.cmpf ogt, %mul3A_76, %select_n3A_159 : vector<16xf32>
      %select_n3A_164 = arith.select %gt3A_163, %mul3A_76, %select_n3A_159 : vector<16xi1>, vector<16xf32>
      %jit3A_165 = arith.constant 4 : i32
      %broadcast_in_dim3A_166 = vector.broadcast %jit3A_165 : i32 to vector<16xi32>
      %select_n3A_167 = arith.select %gt3A_163, %broadcast_in_dim3A_166, %select_n3A_162 : vector<16xi1>, vector<16xi32>
      %gt3A_168 = arith.cmpf ogt, %mul3A_77, %select_n3A_164 : vector<16xf32>
      %select_n3A_169 = arith.select %gt3A_168, %mul3A_77, %select_n3A_164 : vector<16xi1>, vector<16xf32>
      %jit3A_170 = arith.constant 5 : i32
      %broadcast_in_dim3A_171 = vector.broadcast %jit3A_170 : i32 to vector<16xi32>
      %select_n3A_172 = arith.select %gt3A_168, %broadcast_in_dim3A_171, %select_n3A_167 : vector<16xi1>, vector<16xi32>
      %add3A_173 = vector.broadcast %multiple_of3A : i32 to vector<16xi32>
      %add3A_174 = arith.addi %iota3A, %add3A_173 : vector<16xi32>
      %broadcast_in_dim3A_175 = arith.constant 2 : i32
      %broadcast_in_dim3A_176 = vector.broadcast %broadcast_in_dim3A_175 : i32 to vector<16xi32>
      tpu.vector_store_idx %arg6[%add3A_174, %broadcast_in_dim3A_176], %select_n3A_172 : memref<512x3xi32, #tpu.memory_space<vmem>>[vector<16xi32>, vector<16xi32>], vector<16xi32>,
      %mul3A_177 = arith.constant 32 : i32
      %mul3A_178 = arith.muli %scan3A_22, %mul3A_177 : i32
      %add3A_179 = arith.constant 16 : i32
      %add3A_180 = arith.addi %mul3A_178, %add3A_179 : i32
      %multiple_of3A_181 = tpu.assume_multiple %add3A_180, 16 : i32
      %get3A_182 = arith.constant 16 : i32
      %get3A_183 = arith.index_cast %get3A_182 : i32 to index
      %get3A_184 = arith.index_cast %multiple_of3A_181 : i32 to index
      %get3A_185 = tpu.vector_load %arg5[%get3A_183, %get3A_184] {strides = array<i32>} : memref<24x512xf32, #tpu.memory_space<vmem>>, vector<16xf32>,
      %get3A_186 = arith.constant 17 : i32
      %get3A_187 = arith.index_cast %get3A_186 : i32 to index
      %get3A_188 = arith.index_cast %multiple_of3A_181 : i32 to index
      %get3A_189 = tpu.vector_load %arg5[%get3A_187, %get3A_188] {strides = array<i32>} : memref<24x512xf32, #tpu.memory_space<vmem>>, vector<16xf32>,
      %get3A_190 = arith.constant 18 : i32
      %get3A_191 = arith.index_cast %get3A_190 : i32 to index
      %get3A_192 = arith.index_cast %multiple_of3A_181 : i32 to index
      %get3A_193 = tpu.vector_load %arg5[%get3A_191, %get3A_192] {strides = array<i32>} : memref<24x512xf32, #tpu.memory_space<vmem>>, vector<16xf32>,
      %get3A_194 = arith.constant 19 : i32
      %get3A_195 = arith.index_cast %get3A_194 : i32 to index
      %get3A_196 = arith.index_cast %multiple_of3A_181 : i32 to index
      %get3A_197 = tpu.vector_load %arg5[%get3A_195, %get3A_196] {strides = array<i32>} : memref<24x512xf32, #tpu.memory_space<vmem>>, vector<16xf32>,
      %get3A_198 = arith.constant 20 : i32
      %get3A_199 = arith.index_cast %get3A_198 : i32 to index
      %get3A_200 = arith.index_cast %multiple_of3A_181 : i32 to index
      %get3A_201 = tpu.vector_load %arg5[%get3A_199, %get3A_200] {strides = array<i32>} : memref<24x512xf32, #tpu.memory_space<vmem>>, vector<16xf32>,
      %get3A_202 = arith.constant 21 : i32
      %get3A_203 = arith.index_cast %get3A_202 : i32 to index
      %get3A_204 = arith.index_cast %multiple_of3A_181 : i32 to index
      %get3A_205 = tpu.vector_load %arg5[%get3A_203, %get3A_204] {strides = array<i32>} : memref<24x512xf32, #tpu.memory_space<vmem>>, vector<16xf32>,
      %max3A_206 = arith.maximumf %get3A_185, %get3A_189 : vector<16xf32>
      %max3A_207 = arith.maximumf %max3A_206, %get3A_193 : vector<16xf32>
      %max3A_208 = arith.maximumf %max3A_207, %get3A_197 : vector<16xf32>
      %max3A_209 = arith.maximumf %max3A_208, %get3A_201 : vector<16xf32>
      %max3A_210 = arith.maximumf %max3A_209, %get3A_205 : vector<16xf32>
      %sub3A_211 = arith.subf %get3A_185, %max3A_210 : vector<16xf32>
      %sub3A_212 = arith.subf %get3A_189, %max3A_210 : vector<16xf32>
      %sub3A_213 = arith.subf %get3A_193, %max3A_210 : vector<16xf32>
      %sub3A_214 = arith.subf %get3A_197, %max3A_210 : vector<16xf32>
      %sub3A_215 = arith.subf %get3A_201, %max3A_210 : vector<16xf32>
      %sub3A_216 = arith.subf %get3A_205, %max3A_210 : vector<16xf32>
      %exp3A_217 = math.exp %sub3A_211 : vector<16xf32>
      %exp3A_218 = math.exp %sub3A_212 : vector<16xf32>
      %exp3A_219 = math.exp %sub3A_213 : vector<16xf32>
      %exp3A_220 = math.exp %sub3A_214 : vector<16xf32>
      %exp3A_221 = math.exp %sub3A_215 : vector<16xf32>
      %exp3A_222 = math.exp %sub3A_216 : vector<16xf32>
      %add3A_223 = arith.addf %exp3A_217, %exp3A_218 : vector<16xf32>
      %add3A_224 = arith.addf %add3A_223, %exp3A_219 : vector<16xf32>
      %add3A_225 = arith.addf %add3A_224, %exp3A_220 : vector<16xf32>
      %add3A_226 = arith.addf %add3A_225, %exp3A_221 : vector<16xf32>
      %add3A_227 = arith.addf %add3A_226, %exp3A_222 : vector<16xf32>
      %div3A_228 = arith.constant 1.000000e+00 : f32
      %div3A_229 = vector.broadcast %div3A_228 : f32 to vector<16xf32>
      %div3A_230 = arith.divf %div3A_229, %add3A_227 : vector<16xf32>
      %mul3A_231 = arith.mulf %exp3A_217, %div3A_230 : vector<16xf32>
      %mul3A_232 = arith.mulf %exp3A_218, %div3A_230 : vector<16xf32>
      %mul3A_233 = arith.mulf %exp3A_219, %div3A_230 : vector<16xf32>
      %mul3A_234 = arith.mulf %exp3A_220, %div3A_230 : vector<16xf32>
      %mul3A_235 = arith.mulf %exp3A_221, %div3A_230 : vector<16xf32>
      %mul3A_236 = arith.mulf %exp3A_222, %div3A_230 : vector<16xf32>
      %bitcast_convert_type3A_237 = tpu.bitcast %add3A_227 : vector<16xf32> -> vector<16xi32>
      %shift_right_arithmetic3A_238 = arith.constant 23 : i32
      %shift_right_arithmetic3A_239 = vector.broadcast %shift_right_arithmetic3A_238 : i32 to vector<16xi32>
      %shift_right_arithmetic3A_240 = arith.shrsi %bitcast_convert_type3A_237, %shift_right_arithmetic3A_239 : vector<16xi32>
      %sub3A_241 = arith.constant 127 : i32
      %sub3A_242 = vector.broadcast %sub3A_241 : i32 to vector<16xi32>
      %sub3A_243 = arith.subi %shift_right_arithmetic3A_240, %sub3A_242 : vector<16xi32>
      %and3A_244 = arith.constant 8388607 : i32
      %and3A_245 = vector.broadcast %and3A_244 : i32 to vector<16xi32>
      %and3A_246 = arith.andi %bitcast_convert_type3A_237, %and3A_245 : vector<16xi32>
      %or3A_247 = arith.constant 1065353216 : i32
      %or3A_248 = vector.broadcast %or3A_247 : i32 to vector<16xi32>
      %or3A_249 = arith.ori %and3A_246, %or3A_248 : vector<16xi32>
      %bitcast_convert_type3A_250 = tpu.bitcast %or3A_249 : vector<16xi32> -> vector<16xf32>
      %sub3A_251 = arith.constant 1.000000e+00 : f32
      %sub3A_252 = vector.broadcast %sub3A_251 : f32 to vector<16xf32>
      %sub3A_253 = arith.subf %bitcast_convert_type3A_250, %sub3A_252 : vector<16xf32>
      %add3A_254 = arith.constant 1.000000e+00 : f32
      %add3A_255 = vector.broadcast %add3A_254 : f32 to vector<16xf32>
      %add3A_256 = arith.addf %bitcast_convert_type3A_250, %add3A_255 : vector<16xf32>
      %div3A_257 = arith.divf %sub3A_253, %add3A_256 : vector<16xf32>
      %mul3A_258 = arith.mulf %div3A_257, %div3A_257 : vector<16xf32>
      %mul3A_259 = arith.constant 2.000000e+00 : f32
      %mul3A_260 = vector.broadcast %mul3A_259 : f32 to vector<16xf32>
      %mul3A_261 = arith.mulf %mul3A_260, %div3A_257 : vector<16xf32>
      %div3A_262 = arith.constant 9.000000e+00 : f32
      %div3A_263 = vector.broadcast %div3A_262 : f32 to vector<16xf32>
      %div3A_264 = arith.divf %mul3A_258, %div3A_263 : vector<16xf32>
      %add3A_265 = arith.constant 0.142857149 : f32
      %add3A_266 = vector.broadcast %add3A_265 : f32 to vector<16xf32>
      %add3A_267 = arith.addf %add3A_266, %div3A_264 : vector<16xf32>
      %mul3A_268 = arith.mulf %mul3A_258, %add3A_267 : vector<16xf32>
      %add3A_269 = arith.constant 2.000000e-01 : f32
      %add3A_270 = vector.broadcast %add3A_269 : f32 to vector<16xf32>
      %add3A_271 = arith.addf %add3A_270, %mul3A_268 : vector<16xf32>
      %mul3A_272 = arith.mulf %mul3A_258, %add3A_271 : vector<16xf32>
      %add3A_273 = arith.constant 0.333333343 : f32
      %add3A_274 = vector.broadcast %add3A_273 : f32 to vector<16xf32>
      %add3A_275 = arith.addf %add3A_274, %mul3A_272 : vector<16xf32>
      %mul3A_276 = arith.mulf %mul3A_258, %add3A_275 : vector<16xf32>
      %add3A_277 = arith.constant 1.000000e+00 : f32
      %add3A_278 = vector.broadcast %add3A_277 : f32 to vector<16xf32>
      %add3A_279 = arith.addf %add3A_278, %mul3A_276 : vector<16xf32>
      %mul3A_280 = arith.mulf %mul3A_261, %add3A_279 : vector<16xf32>
      %convert_element_type3A_281 = arith.sitofp %sub3A_243 : vector<16xi32> to vector<16xf32>
      %mul3A_282 = arith.constant 0.693147182 : f32
      %mul3A_283 = vector.broadcast %mul3A_282 : f32 to vector<16xf32>
      %mul3A_284 = arith.mulf %convert_element_type3A_281, %mul3A_283 : vector<16xf32>
      %add3A_285 = arith.addf %mul3A_284, %mul3A_280 : vector<16xf32>
      %mul3A_286 = arith.mulf %mul3A_231, %sub3A_211 : vector<16xf32>
      %mul3A_287 = arith.mulf %mul3A_232, %sub3A_212 : vector<16xf32>
      %add3A_288 = arith.addf %mul3A_286, %mul3A_287 : vector<16xf32>
      %add3A_289 = arith.addf %sub3A_211, %sub3A_212 : vector<16xf32>
      %mul3A_290 = arith.mulf %mul3A_233, %sub3A_213 : vector<16xf32>
      %add3A_291 = arith.addf %add3A_288, %mul3A_290 : vector<16xf32>
      %add3A_292 = arith.addf %add3A_289, %sub3A_213 : vector<16xf32>
      %mul3A_293 = arith.mulf %mul3A_234, %sub3A_214 : vector<16xf32>
      %add3A_294 = arith.addf %add3A_291, %mul3A_293 : vector<16xf32>
      %add3A_295 = arith.addf %add3A_292, %sub3A_214 : vector<16xf32>
      %mul3A_296 = arith.mulf %mul3A_235, %sub3A_215 : vector<16xf32>
      %add3A_297 = arith.addf %add3A_294, %mul3A_296 : vector<16xf32>
      %add3A_298 = arith.addf %add3A_295, %sub3A_215 : vector<16xf32>
      %mul3A_299 = arith.mulf %mul3A_236, %sub3A_216 : vector<16xf32>
      %add3A_300 = arith.addf %add3A_297, %mul3A_299 : vector<16xf32>
      %add3A_301 = arith.addf %add3A_298, %sub3A_216 : vector<16xf32>
      %neg3A_302 = arith.constant 0.000000e+00 : f32
      %neg3A_303 = vector.broadcast %neg3A_302 : f32 to vector<16xf32>
      %neg3A_304 = arith.subf %neg3A_303, %add3A_300 : vector<16xf32>
      %mul3A_305 = arith.constant 1.00000012 : f32
      %mul3A_306 = vector.broadcast %mul3A_305 : f32 to vector<16xf32>
      %mul3A_307 = arith.mulf %mul3A_306, %add3A_285 : vector<16xf32>
      %add3A_308 = arith.addf %neg3A_304, %mul3A_307 : vector<16xf32>
      %mul3A_309 = arith.constant 9.99999993E-9 : f32
      %mul3A_310 = vector.broadcast %mul3A_309 : f32 to vector<16xf32>
      %mul3A_311 = arith.mulf %mul3A_310, %add3A_301 : vector<16xf32>
      %sub3A_312 = arith.subf %add3A_308, %mul3A_311 : vector<16xf32>
      %add3A_313 = arith.addf %add3A_148, %sub3A_312 : vector<16xf32>
      %broadcast_in_dim3A_314 = arith.constant 0 : i32
      %broadcast_in_dim3A_315 = vector.broadcast %broadcast_in_dim3A_314 : i32 to vector<16xi32>
      %gt3A_316 = arith.cmpf ogt, %mul3A_232, %mul3A_231 : vector<16xf32>
      %select_n3A_317 = arith.select %gt3A_316, %mul3A_232, %mul3A_231 : vector<16xi1>, vector<16xf32>
      %jit3A_318 = arith.constant 1 : i32
      %broadcast_in_dim3A_319 = vector.broadcast %jit3A_318 : i32 to vector<16xi32>
      %select_n3A_320 = arith.select %gt3A_316, %broadcast_in_dim3A_319, %broadcast_in_dim3A_315 : vector<16xi1>, vector<16xi32>
      %gt3A_321 = arith.cmpf ogt, %mul3A_233, %select_n3A_317 : vector<16xf32>
      %select_n3A_322 = arith.select %gt3A_321, %mul3A_233, %select_n3A_317 : vector<16xi1>, vector<16xf32>
      %jit3A_323 = arith.constant 2 : i32
      %broadcast_in_dim3A_324 = vector.broadcast %jit3A_323 : i32 to vector<16xi32>
      %select_n3A_325 = arith.select %gt3A_321, %broadcast_in_dim3A_324, %select_n3A_320 : vector<16xi1>, vector<16xi32>
      %gt3A_326 = arith.cmpf ogt, %mul3A_234, %select_n3A_322 : vector<16xf32>
      %select_n3A_327 = arith.select %gt3A_326, %mul3A_234, %select_n3A_322 : vector<16xi1>, vector<16xf32>
      %jit3A_328 = arith.constant 3 : i32
      %broadcast_in_dim3A_329 = vector.broadcast %jit3A_328 : i32 to vector<16xi32>
      %select_n3A_330 = arith.select %gt3A_326, %broadcast_in_dim3A_329, %select_n3A_325 : vector<16xi1>, vector<16xi32>
      %gt3A_331 = arith.cmpf ogt, %mul3A_235, %select_n3A_327 : vector<16xf32>
      %select_n3A_332 = arith.select %gt3A_331, %mul3A_235, %select_n3A_327 : vector<16xi1>, vector<16xf32>
      %jit3A_333 = arith.constant 4 : i32
      %broadcast_in_dim3A_334 = vector.broadcast %jit3A_333 : i32 to vector<16xi32>
      %select_n3A_335 = arith.select %gt3A_331, %broadcast_in_dim3A_334, %select_n3A_330 : vector<16xi1>, vector<16xi32>
      %gt3A_336 = arith.cmpf ogt, %mul3A_236, %select_n3A_332 : vector<16xf32>
      %select_n3A_337 = arith.select %gt3A_336, %mul3A_236, %select_n3A_332 : vector<16xi1>, vector<16xf32>
      %jit3A_338 = arith.constant 5 : i32
      %broadcast_in_dim3A_339 = vector.broadcast %jit3A_338 : i32 to vector<16xi32>
      %select_n3A_340 = arith.select %gt3A_336, %broadcast_in_dim3A_339, %select_n3A_335 : vector<16xi1>, vector<16xi32>
      %add3A_341 = vector.broadcast %multiple_of3A_181 : i32 to vector<16xi32>
      %add3A_342 = arith.addi %iota3A, %add3A_341 : vector<16xi32>
      %broadcast_in_dim3A_343 = arith.constant 2 : i32
      %broadcast_in_dim3A_344 = vector.broadcast %broadcast_in_dim3A_343 : i32 to vector<16xi32>
      tpu.vector_store_idx %arg6[%add3A_342, %broadcast_in_dim3A_344], %select_n3A_340 : memref<512x3xi32, #tpu.memory_space<vmem>>[vector<16xi32>, vector<16xi32>], vector<16xi32>,
      scf.yield %add3A_313 : vector<16xf32>
    }
    %scan3A_20 = arith.constant 16 : i32
    %swap3A = arith.constant 0 : index
    %swap3A_21 = tpu.vector_load %arg7[%swap3A] {strides = array<i32>} : memref<16xf32, #tpu.memory_space<vmem>>, vector<16xf32>,
    tpu.vector_store %arg7[%swap3A], %scan3A_19 {strides = array<i32>} : memref<16xf32, #tpu.memory_space<vmem>>, vector<16xf32>,
    "tpu.region"() ({
      %run_scoped3A = tpu.sem_alloc : memref<!tpu.dma_semaphore, #tpu.memory_space<semaphore_mem>>
      %dma_start3A = arith.constant 0 : i32
      %dma_start3A_22 = tpu.memref_slice %arg3[%mul3A_2, %dma_start3A] : memref<16384x3xi32, #tpu.memory_space<hbm>> -> memref<512x3xi32, #tpu.memory_space<hbm>>
      %dma_start3A_23 = arith.constant 0 : i32
      %dma_start3A_24 = tpu.memref_slice %arg3[%mul3A_2, %dma_start3A_23] : memref<16384x3xi32, #tpu.memory_space<hbm>> -> memref<512x3xi32, #tpu.memory_space<hbm>>
      tpu.enqueue_dma source(%arg6 : memref<512x3xi32, #tpu.memory_space<vmem>>) target(%dma_start3A_24 : memref<512x3xi32, #tpu.memory_space<hbm>>) target_semaphore(%run_scoped3A : memref<!tpu.dma_semaphore, #tpu.memory_space<semaphore_mem>>)
      %dma_wait3A = arith.constant 0 : i32
      %dma_wait3A_25 = tpu.memref_slice %arg3[%mul3A_2, %dma_wait3A] : memref<16384x3xi32, #tpu.memory_space<hbm>> -> memref<512x3xi32, #tpu.memory_space<hbm>>
      %dma_wait3A_26 = arith.constant 0 : i32
      %dma_wait3A_27 = tpu.memref_slice %arg3[%mul3A_2, %dma_wait3A_26] : memref<16384x3xi32, #tpu.memory_space<hbm>> -> memref<512x3xi32, #tpu.memory_space<hbm>>
      tpu.wait_dma2 semaphore(%run_scoped3A : memref<!tpu.dma_semaphore, #tpu.memory_space<semaphore_mem>>) src(%arg6 : memref<512x3xi32, #tpu.memory_space<vmem>>) dst(%dma_wait3A_27 : memref<512x3xi32, #tpu.memory_space<hbm>>)
      tpu.yield
    }) : () -> ()
    "tpu.region"() ({
      %run_scoped3A = tpu.sem_alloc : memref<!tpu.dma_semaphore, #tpu.memory_space<semaphore_mem>>
      %dma_start3A = arith.constant 0 : i32
      %dma_start3A_22 = tpu.memref_slice %arg4[%add3A, %dma_start3A] : memref<32x16xf32, #tpu.memory_space<hbm>> -> memref<1x16xf32, #tpu.memory_space<hbm>>
      %dma_start3A_23 = tpu.memref_squeeze %dma_start3A_22 : memref<1x16xf32, #tpu.memory_space<hbm>> -> memref<16xf32, #tpu.memory_space<hbm>>
      %dma_start3A_24 = arith.constant 0 : i32
      %dma_start3A_25 = tpu.memref_slice %arg4[%add3A, %dma_start3A_24] : memref<32x16xf32, #tpu.memory_space<hbm>> -> memref<1x16xf32, #tpu.memory_space<hbm>>
      %dma_start3A_26 = tpu.memref_squeeze %dma_start3A_25 : memref<1x16xf32, #tpu.memory_space<hbm>> -> memref<16xf32, #tpu.memory_space<hbm>>
      tpu.enqueue_dma source(%arg7 : memref<16xf32, #tpu.memory_space<vmem>>) target(%dma_start3A_26 : memref<16xf32, #tpu.memory_space<hbm>>) target_semaphore(%run_scoped3A : memref<!tpu.dma_semaphore, #tpu.memory_space<semaphore_mem>>)
      %dma_wait3A = arith.constant 0 : i32
      %dma_wait3A_27 = tpu.memref_slice %arg4[%add3A, %dma_wait3A] : memref<32x16xf32, #tpu.memory_space<hbm>> -> memref<1x16xf32, #tpu.memory_space<hbm>>
      %dma_wait3A_28 = tpu.memref_squeeze %dma_wait3A_27 : memref<1x16xf32, #tpu.memory_space<hbm>> -> memref<16xf32, #tpu.memory_space<hbm>>
      %dma_wait3A_29 = arith.constant 0 : i32
      %dma_wait3A_30 = tpu.memref_slice %arg4[%add3A, %dma_wait3A_29] : memref<32x16xf32, #tpu.memory_space<hbm>> -> memref<1x16xf32, #tpu.memory_space<hbm>>
      %dma_wait3A_31 = tpu.memref_squeeze %dma_wait3A_30 : memref<1x16xf32, #tpu.memory_space<hbm>> -> memref<16xf32, #tpu.memory_space<hbm>>
      tpu.wait_dma2 semaphore(%run_scoped3A : memref<!tpu.dma_semaphore, #tpu.memory_space<semaphore_mem>>) src(%arg7 : memref<16xf32, #tpu.memory_space<vmem>>) dst(%dma_wait3A_31 : memref<16xf32, #tpu.memory_space<hbm>>)
      tpu.yield
    }) : () -> ()
    return
  }
}

module attributes {stable_mosaic.version = 14 : i64} {
  func.func @_tc_body(%arg0: i32, %arg1: memref<2048x128xf32, #tpu.memory_space<vmem>>, %arg2: memref<128x24xf32, #tpu.memory_space<vmem>>, %arg3: memref<24x1xf32, #tpu.memory_space<vmem>>, %arg4: memref<24x2048xf32, #tpu.memory_space<vmem>>) attributes {dimension_semantics = [#tpu.dimension_semantics<arbitrary>], iteration_bounds = array<i64: 8>, scalar_prefetch = 0 : i64, scratch_operands = 0 : i64, tpu.core_type = #tpu.core_type<tc>, window_params = [{transform_indices = @transform_0, window_bounds = array<i64: 2048, 128>}, {pipeline_mode = #tpu.pipeline_mode<synchronous>, transform_indices = @transform_1, window_bounds = array<i64: 128, 24>}, {pipeline_mode = #tpu.pipeline_mode<synchronous>, transform_indices = @transform_2, window_bounds = array<i64: 24, 1>}, {transform_indices = @transform_3, window_bounds = array<i64: 24, 2048>}]} {
    %get3A = arith.constant 0 : index
    %get3A_0 = arith.constant 0 : index
    %get3A_1 = vector.load %arg1[%get3A, %get3A_0] : memref<2048x128xf32, #tpu.memory_space<vmem>>, vector<2048x128xf32>
    %get3A_2 = arith.constant 0 : index
    %get3A_3 = arith.constant 0 : index
    %get3A_4 = vector.load %arg2[%get3A_2, %get3A_3] : memref<128x24xf32, #tpu.memory_space<vmem>>, vector<128x24xf32>
    %dot_general3A = arith.constant dense<0.000000e+00> : vector<2048x24xf32>
    %dot_general3A_5 = tpu.matmul %get3A_1, %get3A_4, %dot_general3A {dimension_numbers = #tpu.dot_dimension_numbers<[1], [0], [0], [1], [0, 0, 1, 1], [], []>, transpose_lhs_hint = false} : vector<2048x128xf32>, vector<128x24xf32>, vector<2048x24xf32> -> vector<2048x24xf32>
    %transpose3A = tpu.transpose %dot_general3A_5, [1, 0] : vector<2048x24xf32> -> vector<24x2048xf32>
    %get3A_6 = arith.constant 0 : index
    %get3A_7 = arith.constant 0 : index
    %get3A_8 = vector.load %arg3[%get3A_6, %get3A_7] : memref<24x1xf32, #tpu.memory_space<vmem>>, vector<24x1xf32>
    %add3A = vector.broadcast %get3A_8 : vector<24x1xf32> to vector<24x2048xf32>
    %add3A_9 = arith.addf %transpose3A, %add3A : vector<24x2048xf32>
    %swap3A = arith.constant 0 : index
    %swap3A_10 = arith.constant 0 : index
    %swap3A_11 = vector.load %arg4[%swap3A, %swap3A_10] : memref<24x2048xf32, #tpu.memory_space<vmem>>, vector<24x2048xf32>
    tpu.vector_store %arg4[%swap3A, %swap3A_10], %add3A_9 {strides = array<i32>} : memref<24x2048xf32, #tpu.memory_space<vmem>>, vector<24x2048xf32>,
    return
  }
  func.func @transform_0(%arg0: i32) -> (i32, i32) {
    %c0_i32 = arith.constant 0 : i32
    %c0_i32_0 = arith.constant 0 : i32
    return %arg0, %c0_i32 : i32, i32
  }
  func.func @transform_1(%arg0: i32) -> (i32, i32) {
    %c0_i32 = arith.constant 0 : i32
    %c0_i32_0 = arith.constant 0 : i32
    %c0_i32_1 = arith.constant 0 : i32
    return %c0_i32, %c0_i32_0 : i32, i32
  }
  func.func @transform_2(%arg0: i32) -> (i32, i32) {
    %c0_i32 = arith.constant 0 : i32
    %c0_i32_0 = arith.constant 0 : i32
    %c0_i32_1 = arith.constant 0 : i32
    return %c0_i32, %c0_i32_0 : i32, i32
  }
  func.func @transform_3(%arg0: i32) -> (i32, i32) {
    %c0_i32 = arith.constant 0 : i32
    %c0_i32_0 = arith.constant 0 : i32
    return %c0_i32, %arg0 : i32, i32
  }
}

</mosaic_0001>

<sc_bundles>
// kernel: kernel.4.cloned.1.call-start
scs
__scs_entry_jumppad:
0x0: {  	(pc) =	sbr.rel $0x88, $3  }
0x1: {  	(tag) =	ssettag $0x0;
	lr =	simm.s32 $0x1  }
0x2: {  	[smem:$0x3F9E] =	sst lr;
	_ =	strace $0xD0000000  }
0x3: {  	_ = 	snop  }
0x4: {  	_ = 	snop  }
0x5: {  	_ = 	snop  }
0x6: {  	_ = 	snop  }
0x7: {  	_ = 	snop  }
__scs_overlays_trampoline_lowered:
0x8: {  	[smem:$0x3FAD] =	sst s0  }
0x9: {  	[smem:$0x3FAE] =	sst s1  }
0xa: {  	[smem:$0x3FAF] =	sst s2  }
0xb: {  	[smem:$0x3FB0] =	sst s3  }
0xc: {  	[smem:$0x3FB1] =	sst s4  }
0xd: {  	[smem:$0x3FB2] =	sst s5  }
0xe: {  	[smem:$0x3FB3] =	sst s6  }
0xf: {  	[smem:$0x3FB4] =	sst s7  }
0x10: {  	[smem:$0x3FB5] =	sst s8  }
0x11: {  	[smem:$0x3FB6] =	sst s9;
	s0 =	simm.s32 @!p0 $0x0  }
0x12: {  	s1 =	sld [smem:$0x3F9C];
	s0 =	simm.s32 @p0 $0x1  }
0x13: {  	[smem:$0x3FB7] =	sst s0;
	s0 =	simm.s32 @!p1 $0x0  }
0x14: {  	s2 =	sld [smem:$0x3F9B];
	s0 =	simm.s32 @p1 $0x1  }
0x15: {  	[smem:$0x3FB8] =	sst s0;
	s0 =	simm.s32 @!p2 $0x0  }
0x16: {  	s3 =	sld [smem:$0x3FDB];
	s0 =	simm.s32 @p2 $0x1  }
0x17: {  	s4 =	simm.s32 $0x1BF5;
	[smem:$0x3FBA] =	sst s0  }
0x18: {  	s0 =	sld [smem:$0x3F9D];
	_ =	swait.ge [sflag:s4], $0x0  }
0x19: {  	s7 =	sld [smem:$0x3F9E]  }
0x1a: {  	s8 =	sadd.s32 $0xFFFFE003, lr  }
0x1b: {  	s9 =	sadd.s32 $0xFFFFFEF7, lr;
	s5 =	simm.s32 $0xFFFFFFFF;
	p2 =	slt.u32 s8, $0xFFFFF086  }
0x1c: {  	p1 =	slt.u32 s9, $0xF7A;
	s5 =	simm.s32 @!p2 $0x0  }
0x1d: {  	s5 =	simm.s32 @p1 $0x1;
	p0 =	seq.s32 s7, s2  }
0x1e: {  	s7 =	smul.u32 @!p0 $0xF7A, s2;
	p2 =	seq.s32 @!p0 s5, $0x0  }
0x1f: {  	s9 =	smul.u32 $0xF7A, s1;
	s8 =	simm.s32 @!p0 $0x1BF5;
	p2 =	por !p2, p0  }
0x20: {  	[sflag:s8] =	ssyncset.s32 @!p0 $0xFFFFF086;
	s6 =	sadd.s32 @!p0 s3, s7;
	s7 =	simm.s32 @!p0 $0x108  }
0x21: {  	s3 =	sadd.s32 s3, s9;
	s6 =	sadd.s32 @!p0 $0x88, s6;
	s7 =	simm.s32 @p2 $0x1082  }
0x22: {  	[simem:s7], [sflag:s8] =	dma.local @!p0 [hbm:s6], $0xF7A  }
0x23: {  	s9 =	sor.u32 $0xD0000000, s2;
	s6 =	simm.s32 $0x108;
	_ =	swait.ge @!p0 [sflag:s8], $0x0  }
0x24: {  	s3 =	sadd.s32 $0x88, s3;
	s6 =	simm.s32 @!p1 $0x1082;
	[sflag:s4] =	ssyncset.s32 $0xFFFFF086  }
0x25: {  	[simem:s6], [sflag:s4] =	dma.local [hbm:s3], $0xF7A  }
0x26: {  	[smem:$0x3F9E] =	sst s1;
	(tag) =	ssettag s2;
	_ =	strace s9  }
0x27: {  	s1 =	sld [smem:$0x3FAE]  }
0x28: {  	s2 =	sld [smem:$0x3FAF]  }
0x29: {  	s4 =	sld [smem:$0x3FB1]  }
0x2a: {  	p0 =	seq.s32 s5, $0x0;
	s5 =	sld [smem:$0x3FB2]  }
0x2b: {  	s6 =	sld [smem:$0x3FB3]  }
0x2c: {  	s7 =	sld [smem:$0x3FB4]  }
0x2d: {  	s3 =	simm.s32 $0x108;
	s8 =	sld [smem:$0x3FB5]  }
0x2e: {  	s3 =	simm.s32 @!p0 $0x1082;
	s9 =	sld [smem:$0x3FB6]  }
0x2f: {  	lr =	sadd.s32 s0, s3;
	s0 =	sld [smem:$0x3FAD]  }
0x30: {  	s3 =	sld [smem:$0x3FB0]  }
0x31: {  	[smem:$0x3FB9] =	sst s10  }
0x32: {  	s10 =	sld [smem:$0x3FB7];
	_ =	sdelay $0x3  }
0x33: {  	p0 =	seq.s32 s10, $0x1;
	s10 =	sld [smem:$0x3FB9];
	_ =	sdelay $0x3  }
0x34: {  	[smem:$0x3FB9] =	sst s10  }
0x35: {  	s10 =	sld [smem:$0x3FB8];
	_ =	sdelay $0x3  }
0x36: {  	p1 =	seq.s32 s10, $0x1;
	s10 =	sld [smem:$0x3FB9];
	_ =	sdelay $0x3  }
0x37: {  	[smem:$0x3FB9] =	sst s10  }
0x38: {  	s10 =	sld [smem:$0x3FBA]  }
0x39: {  	_ = 	snop;
	(pc) =	sbr.ind lr, $3  }
0x3a: {  	_ = 	snop  }
0x3b: {  	_ = 	snop  }
0x3c: {  	p2 =	seq.s32 s10, $0x1;
	s10 =	sld [smem:$0x3FB9]  }
0x3d: {  	_ =	shalt  }
0x3e: {  	_ =	shalt  }
0x3f: {  	_ =	shalt  }
0x40: {  	_ =	shalt  }
0x41: {  	_ =	shalt  }
0x42: {  	_ =	shalt  }
0x43: {  	_ =	shalt  }
0x44: {  	_ =	shalt  }
0x45: {  	_ =	shalt  }
0x46: {  	_ =	shalt  }
0x47: {  	_ =	shalt  }
0x48: {  	_ =	shalt  }
0x49: {  	_ =	shalt  }
0x4a: {  	_ =	shalt  }
0x4b: {  	_ =	shalt  }
0x4c: {  	_ =	shalt  }
0x4d: {  	_ =	shalt  }
0x4e: {  	_ =	shalt  }
0x4f: {  	_ =	shalt  }
0x50: {  	_ =	shalt  }
0x51: {  	_ =	shalt  }
0x52: {  	_ =	shalt  }
0x53: {  	_ =	shalt  }
0x54: {  	_ =	shalt  }
0x55: {  	_ =	shalt  }
0x56: {  	_ =	shalt  }
0x57: {  	_ =	shalt  }
0x58: {  	_ =	shalt  }
0x59: {  	_ =	shalt  }
0x5a: {  	_ =	shalt  }
0x5b: {  	_ =	shalt  }
0x5c: {  	_ =	shalt  }
0x5d: {  	_ =	shalt  }
0x5e: {  	_ =	shalt  }
0x5f: {  	_ =	shalt  }
0x60: {  	_ =	shalt  }
0x61: {  	_ =	shalt  }
0x62: {  	_ =	shalt  }
0x63: {  	_ =	shalt  }
0x64: {  	_ =	shalt  }
0x65: {  	_ =	shalt  }
0x66: {  	_ =	shalt  }
0x67: {  	_ =	shalt  }
0x68: {  	_ =	shalt  }
0x69: {  	_ =	shalt  }
0x6a: {  	_ =	shalt  }
0x6b: {  	_ =	shalt  }
0x6c: {  	_ =	shalt  }
0x6d: {  	_ =	shalt  }
0x6e: {  	_ =	shalt  }
0x6f: {  	_ =	shalt  }
0x70: {  	_ =	shalt  }
0x71: {  	_ =	shalt  }
0x72: {  	_ =	shalt  }
0x73: {  	_ =	shalt  }
0x74: {  	_ =	shalt  }
0x75: {  	_ =	shalt  }
0x76: {  	_ =	shalt  }
0x77: {  	_ =	shalt  }
0x78: {  	_ =	shalt  }
0x79: {  	_ =	shalt  }
0x7a: {  	_ =	shalt  }
0x7b: {  	_ =	shalt  }
0x7c: {  	_ =	shalt  }
0x7d: {  	_ =	shalt  }
0x7e: {  	_ =	shalt  }
0x7f: {  	_ =	shalt  }
0x80: {  	_ =	shalt  }
0x81: {  	_ =	shalt  }
0x82: {  	_ =	shalt  }
0x83: {  	_ =	shalt  }
0x84: {  	_ =	shalt  }
0x85: {  	_ =	shalt  }
0x86: {  	_ =	shalt  }
0x87: {  	_ =	shalt  }
.Lfunc_end0:
.L_simem_size_0:
called_computation_lowered:
.L_overlay_start_0:
0x88: {  	s2 =	sld [smem:$0x3FD9]  }
0x89: {  	s3 =	sld [smem:$0x3FFE];
	_ =	sdelay $0x1  }
0x8a: {  	s1 =	srdreg.scid  }
0x8b: {  	s0 =	sand.u32 $0x1, s1  }
0x8c: {  	s14 =	sshll.u32 s0, $0xA;
	s2 =	sadd.s32 s3, s2  }
0x8d: {  	s2 =	sadd.s32 s2, s14  }
0x8e: {  	[smem:$0x3FC5] =	sst s2  }
0x8f: {  	_ = 	snop  }
0x90: {  	s2 =	sld [smem:$0x3FD0];
	_ =	sdelay $0x2  }
0x91: {  	s15 =	simm.s32 $0xA;
	s4 =	simm.s32 $0x10  }
0x92: {  	[smem:s4], [sflag:s15] =	dma.local [hbm:s2], $0x1  }
0x93: {  	_ =	swait.eq [sflag:s15], $0x1  }
0x94: {  	[sflag:s15] =	ssyncset.done $0x0  }
0x95: {  	[sflag:s15] =	ssyncadd.s32 $0xFFFFFFFF  }
0x96: {  	s16 =	sld [smem:$0x11];
	(tm) =	ssettm $0x1  }
0x97: {  	s17 =	sld [smem:$0x3FFB];
	_ =	sdelay $0x3  }
0x98: {  	_ =	strace s17  }
0x99: {  	s3 =	sld [smem:$0x3FFC];
	_ =	sdelay $0x3  }
0x9a: {  	_ =	strace s3  }
0x9b: {  	s3 =	sld [smem:$0x3FFD];
	_ =	sdelay $0x3  }
0x9c: {  	_ =	strace s3  }
0x9d: {  	_ =	strace $0x8FFFFFFF  }
0x9e: {  	s18 =	sld [smem:$0x3FDB];
	_ =	sdelay $0x1  }
0x9f: {  	s19 =	simm.s32 $_scs_section_size  }
0xa0: {  	s5 =	simm.s32 $_size__tile_overlayer_lowered;
	s6 =	simm.s32 $_tile_overlayer_lowered  }
0xa1: {  	s22 =	simm.s32 $0x1BFF;
	s21 =	sshll.u32 s6, $0x1;
	s3 =	sadd.s32 s19, s18  }
0xa2: {  	s7 =	simm.s32 $0x0;
	s20 =	sshll.u32 s5, $0x1;
	s5 =	sadd.s32 s21, s3  }
0xa3: {  	[timem:s7], [sflag:s22] =	dma.local [hbm:s5], s20  }
0xa4: {  	_ =	swait.ge [sflag:s22], s20  }
0xa5: {  	s4 =	ssub.s32 $0x0, s20;
	[sflag:s22] =	ssyncset.done $0x0  }
0xa6: {  	[sflag:s22] =	ssyncadd.s32 s4;
	_ =	sdelay $0x1  }
0xa7: {  	s23 =	simm.s32 $0x1B8B  }
0xa8: {  	_ =	swait.ge [sflag:s23], $0x1  }
0xa9: {  	[sflag:s23] =	ssyncset.done $0x0  }
0xaa: {  	s25 =	simm.s32 $0x1B8E;
	s24 =	sld [smem:$0x3FFE];
	[sflag:s23] =	ssyncadd.s32 $0xFFFFFFFF  }
0xab: {  	s26 =	simm.s32 $execute0_lowered;
	[smem:$0x3FD2] =	sst s25  }
0xac: {  	s5 =	sshll.u32 s26, $0x1;
	_ =	strace $0x80000046;
	[dreg:$0x1] =	wrdreg $0xFFFFFFFF  }
0xad: {  	s28 =	simm.s32 $_size_execute0_lowered;
	s3 =	sadd.s32 s3, s5;
	[dreg:$0x0] =	wrdreg $0x0  }
0xae: {  	s5 =	sshll.u32 s28, $0x1;
	[dreg:$0x2] =	wrdreg s3  }
0xaf: {  	[dreg:$0x3] =	wrdreg s5  }
0xb0: {  	[dreg:$0x4] =	wrdreg $0xC0  }
0xb1: {  	_ =	task [dreg:s7], $0x5FFFF  }
0xb2: {  	[dreg:$0x1] =	wrdreg $0xFFFFFFFF  }
0xb3: {  	[dreg:$0x0] =	wrdreg $0x60  }
0xb4: {  	[dreg:$0x2] =	wrdreg s24  }
0xb5: {  	[dreg:$0x3] =	wrdreg s16  }
0xb6: {  	[dreg:$0x4] =	wrdreg $0x9  }
0xb7: {  	_ =	task.clear_ibuf [dreg:s7], $0x5FFFF;
	_ =	strace $0x90000046  }
0xb8: {  	s29 =	simm.s32 $0x9;
	_ =	strace $0x80000048  }
0xb9: {  	_ =	swait.ge [sflag:s29], $0x1  }
0xba: {  	[sflag:s29] =	ssyncadd.s32 $0xFFFFFFFF  }
0xbb: {  	_ =	strace $0x90000048  }
0xbc: {  	_ =	sfence  }
0xbd: {  	s30 =	sld [smem:$0x0];
	_ =	sdelay $0x2  }
0xbe: {  	s31 =	sshll.u32 s1, $0xD;
	s1 =	sshrl.u32 s1, $0x2  }
0xbf: {  	s3 =	sand.u32 $0x4000, s31;
	s1 =	sadd.s32 s1, s30  }
0xc0: {  	s0 =	sor.u32 s3, s0;
	s1 =	sshll.u32 s1, $0x11  }
0xc1: {  	s0 =	sor.u32 s1, s0  }
0xc2: {  	s0 =	sadd.s32 $0x8F2B, s0  }
0xc3: {  	[sflag:s0] =	ssyncadd.remote.s32 $0x1  }
0xc4: {  	_ =	sfence.sel $0xFFFF  }
0xc5: {  	[dreg:$0x0] =	wrdreg $0xFFFFFFFF;
	(pc) =	sbr.abs _section_cstart, $3  }
0xc6: {  	[dreg:$0x1] =	wrdreg $0xFFFFFFFF  }
0xc7: {  	_ =	task.clear_ibuf [dreg:s7], $0x2FFFF;
	_ =	strace $0x9FFFFFFF  }
0xc8: {  	(tm) =	ssettm $0x7FFFFFFF  }
0xc9: {  	_ =	shalt  }
tec
execute0_lowered:
.L_overlay_start_1:
0x0: {  	(tag) =	ssettag $0x1  }
0x1: {  	s3 =	rddreg [dreg:$0x0];
	s1 =	simm.s32 $0x0  }
0x2: {  	[smem:$0x7FF] =	sst s1  }
0x3: {  	s5 =	rddreg [dreg:$0x1];
	v0 =	vimm.f32 $9.000000000e+00;
	_ =	strace $0x80000047  }
0x4: {  	(erf) = vrcp.f32 v0;
	_ =	sdelay $0x1  }
0x5: {  	s4 =	srdreg.scid;
	s2 =	stileid.u32  }
0x6: {  	s10 =	simm.s32 $0x3000;
	s4 =	sand.u32 $0x1, s4;
	s6 =	sshll.u32 s2, $0x1  }
0x7: {  	s11 =	simm.s32 $0x13000;
	s12 =	simm.s32 $0x0;
	s6 =	sor.u32 s4, s6  }
0x8: {  	s4 =	ssub.s32 $0x2, s4;
	s7 =	sshll.u32 s6, $0x9;
	s8 =	sshll.u32 s6, $0xD  }
0x9: {  	s31 =	sshrl.u32 s4, $0x1;
	s6 =	sshll.u32 s6, $0x4;
	s7 =	sadd.s32 s7, s3  }
0xa: {  	s8 =	sadd.s32 s8, s3;
	s9 =	ssub.s32 s4, s31;
	s5 =	sadd.s32 s5, s6  }
0xb: {  	v2 =	vlaneseq.u32;
	s3 =	sadd.s32 $0xC00, s7;
	s4 =	sadd.s32 $0xCC00, s8;
	s6 =	smax.u32 s9, $0x1  }
0xc: {  	v1 =	vimm.s32 $0x0;
	v2 =	vmul.u32 $0x80, v2;
	s7 =	simm.s32 $0x1000;
	s8 =	simm.s32 $0x20000;
	s9 =	simm.s32 $0x1;
	v0 =	vpop (erf)  }
.LBB2_1:
0xd: {  	[tilespmem:s1], [sflag:$0x1] =	stream.strided.gather [hbm4b:s3+s7], $0x3000, s8, s7, $0x38;
	[tilespmem:$0x13080] =	vst v63  }
0xe: {  	_ =	swait.ge [sflag:s9], $0x3000  }
0xf: {  	s13 =	sand.u32 $0x60, s1;
	s14 =	sand.u32 $0xC00, s1;
	[sflag:s9] =	ssyncset.done $0x0  }
0x10: {  	s13 =	sor.u32 s13, s14;
	[sflag:s9] =	ssyncadd.s32 $0xFFFFD000  }
0x11: {  	v3 =	vld [tilespmem:s13+$0x0]  }
0x12: {  	v4 =	vld [tilespmem:s13+$0x80]  }
0x13: {  	v5 =	vld [tilespmem:s13+$0x100]  }
0x14: {  	v6 =	vld [tilespmem:s13+$0x180]  }
0x15: {  	v7 =	vld [tilespmem:s13+$0x200]  }
0x16: {  	v8 =	vld [tilespmem:s13+$0x280]  }
0x17: {  	v9 =	vmax.f32 v3, v4  }
0x18: {  	v9 =	vmax.f32 v9, v5  }
0x19: {  	v9 =	vmax.f32 v9, v6  }
0x1a: {  	v9 =	vmax.f32 v9, v7  }
0x1b: {  	v9 =	vmax.f32 v9, v8  }
0x1c: {  	v3 =	vsub.f32 v3, v9  }
0x1d: {  	v4 =	vsub.f32 v4, v9  }
0x1e: {  	v10 =	vmul.f32 $1.442695020e+00, v3  }
0x1f: {  	v5 =	vsub.f32 v5, v9;
	v11 =	vmul.f32 $1.442695020e+00, v4  }
0x20: {  	(erf) = vpow2.f32 v10  }
0x21: {  	v6 =	vsub.f32 v6, v9;
	v10 =	vmul.f32 $1.442695020e+00, v5;
	(erf) = vpow2.f32 v11;
	_ =	sdelay $0x1  }
0x22: {  	v7 =	vsub.f32 v7, v9;
	v11 =	vmul.f32 $1.442695020e+00, v6;
	(erf) = vpow2.f32 v10  }
0x23: {  	v8 =	vsub.f32 v8, v9  }
0x24: {  	v9 =	vmul.f32 $1.442695020e+00, v7;
	(erf) = vpow2.f32 v11  }
0x25: {  	v10 =	vmul.f32 $1.442695020e+00, v8  }
0x26: {  	(erf) = vpow2.f32 v9;
	_ =	sdelay $0x1  }
0x27: {  	(erf) = vpow2.f32 v10;
	v9 =	vpop (erf)  }
0x28: {  	v10 =	vpop (erf)  }
0x29: {  	v11 =	vadd.f32 v10, v9  }
0x2a: {  	v12 =	vpop (erf)  }
0x2b: {  	v11 =	vadd.f32 v11, v12  }
0x2c: {  	v13 =	vpop (erf)  }
0x2d: {  	v11 =	vadd.f32 v11, v13  }
0x2e: {  	v14 =	vpop (erf)  }
0x2f: {  	v11 =	vadd.f32 v11, v14  }
0x30: {  	v15 =	vpop (erf)  }
0x31: {  	v11 =	vadd.f32 v11, v15;
	_ =	sdelay $0x1  }
0x32: {  	(erf) = vrcp.f32 v11;
	_ =	sdelay $0x8  }
0x33: {  	v16 =	vpop (erf)  }
0x34: {  	v9 =	vmul.f32 v16, v9;
	v10 =	vmul.f32 v16, v10;
	_ =	sdelay $0x1  }
0x35: {  	v12 =	vmul.f32 v16, v12;
	vm0 =	vgt.f32 v10, v9  }
0x36: {  	v17 =	vsel vm0, v10, v9  }
0x37: {  	v13 =	vmul.f32 v16, v13;
	vm1 =	vgt.f32 v12, v17  }
0x38: {  	v18 =	vmov s1;
	v17 =	vsel vm1, v12, v17  }
0x39: {  	v18 =	vshll.u32 v18, $0x7;
	v14 =	vmul.f32 v16, v14;
	vm2 =	vgt.f32 v13, v17  }
0x3a: {  	v18 =	vor.u32 v2, v18;
	v19 =	vsel vm0, $0x1, v1;
	v17 =	vsel vm2, v13, v17  }
0x3b: {  	v15 =	vmul.f32 v16, v15;
	v16 =	vsel vm1, $0x2, v19;
	vm9 =	vgt.f32 v14, v17  }
0x3c: {  	v16 =	vsel vm2, $0x3, v16;
	v17 =	vsel vm9, v14, v17  }
0x3d: {  	s30 =	simm.s32 $0x10;
	v16 =	vsel vm9, $0x4, v16;
	vm10 =	vgt.f32 v15, v17  }
0x3e: {  	s15 =	sand.u32 $0x70, s30;
	v16 =	vsel vm10, $0x5, v16  }
0x3f: {  	s14 =	sor.u32 s15, s14;
	[tilespmem:v18+s10+$0x0] =	vst.idx.msk $0xffff, v16  }
0x40: {  	v16 =	vld [tilespmem:s14+$0x0]  }
0x41: {  	v17 =	vld [tilespmem:s14+$0x80]  }
0x42: {  	v18 =	vld [tilespmem:s14+$0x100]  }
0x43: {  	v19 =	vld [tilespmem:s14+$0x180]  }
0x44: {  	v20 =	vld [tilespmem:s14+$0x200]  }
0x45: {  	v21 =	vld [tilespmem:s14+$0x280]  }
0x46: {  	v22 =	vmax.f32 v16, v17  }
0x47: {  	v22 =	vmax.f32 v22, v18  }
0x48: {  	v22 =	vmax.f32 v22, v19  }
0x49: {  	v22 =	vmax.f32 v22, v20  }
0x4a: {  	v23 =	vand.u32 $0x7FFFFF, v11;
	v22 =	vmax.f32 v22, v21  }
0x4b: {  	v23 =	vor.u32 $0x3F800000, v23;
	v16 =	vsub.f32 v16, v22  }
0x4c: {  	v24 =	vadd.f32 $1.000000000e+00, v23;
	v17 =	vsub.f32 v17, v22  }
0x4d: {  	v25 =	vmul.f32 $1.442695020e+00, v16  }
0x4e: {  	(erf) = vrcp.f32 v24;
	v18 =	vsub.f32 v18, v22;
	v52 =	vmul.f32 $1.442695020e+00, v17  }
0x4f: {  	(erf) = vpow2.f32 v25  }
0x50: {  	v19 =	vsub.f32 v19, v22;
	v53 =	vmul.f32 $1.442695020e+00, v18;
	(erf) = vpow2.f32 v52;
	_ =	sdelay $0x1  }
0x51: {  	v20 =	vsub.f32 v20, v22;
	v54 =	vmul.f32 $1.442695020e+00, v19;
	(erf) = vpow2.f32 v53;
	_ =	sdelay $0x1  }
0x52: {  	v21 =	vsub.f32 v21, v22;
	v55 =	vmul.f32 $1.442695020e+00, v20;
	(erf) = vpow2.f32 v54;
	_ =	sdelay $0x1  }
0x53: {  	v56 =	vmul.f32 $1.442695020e+00, v21;
	(erf) = vpow2.f32 v55  }
0x54: {  	v57 =	vpop (erf)  }
0x55: {  	v58 =	vpop (erf);
	(erf) = vpow2.f32 v56  }
0x56: {  	v23 =	vadd.f32 $-1.000000000e+00, v23;
	v59 =	vpop (erf)  }
0x57: {  	v26 =	vadd.f32 v59, v58  }
0x58: {  	v22 =	vmul.f32 v57, v23;
	v60 =	vpop (erf)  }
0x59: {  	v26 =	vadd.f32 v26, v60  }
0x5a: {  	v27 =	vmul.f32 v22, v22;
	v28 =	vpop (erf)  }
0x5b: {  	v26 =	vadd.f32 v26, v28  }
0x5c: {  	v29 =	vmul.f32 v27, v0;
	v30 =	vpop (erf)  }
0x5d: {  	v26 =	vadd.f32 v26, v30  }
0x5e: {  	v29 =	vadd.f32 $1.428571490e-01, v29;
	v31 =	vpop (erf)  }
0x5f: {  	v26 =	vadd.f32 v26, v31  }
0x60: {  	v10 =	vmul.f32 v10, v4;
	v4 =	vadd.f32 v4, v3;
	v29 =	vmul.f32 v29, v27  }
0x61: {  	v3 =	vmul.f32 v9, v3;
	v9 =	vand.u32 $0x7FFFFF, v26;
	(erf) = vrcp.f32 v26  }
0x62: {  	v4 =	vadd.f32 v4, v5;
	v29 =	vadd.f32 $2.000000030e-01, v29;
	v9 =	vor.u32 $0x3F800000, v9  }
0x63: {  	v5 =	vmul.f32 v12, v5;
	v3 =	vadd.f32 v10, v3;
	v10 =	vadd.f32 $1.000000000e+00, v9  }
0x64: {  	v4 =	vadd.f32 v4, v6;
	v12 =	vmul.f32 v29, v27  }
0x65: {  	v3 =	vadd.f32 v3, v5;
	v5 =	vmul.f32 v13, v6;
	(erf) = vrcp.f32 v10  }
0x66: {  	v4 =	vadd.f32 v4, v7;
	v6 =	vadd.f32 $3.333333430e-01, v12  }
0x67: {  	v7 =	vmul.f32 v14, v7;
	v3 =	vadd.f32 v3, v5;
	v5 =	vshra.s32 v11, $0x17  }
0x68: {  	v5 =	vadd.s32 $0xFFFFFF81, v5;
	v6 =	vmul.f32 v6, v27  }
0x69: {  	v4 =	vadd.f32 v4, v8;
	v5 =	vcvt.s32.f32 v5;
	v3 =	vadd.f32 v3, v7  }
0x6a: {  	v7 =	vmul.f32 v15, v8;
	v8 =	vadd.f32 v22, v22;
	v6 =	vadd.f32 $1.000000000e+00, v6;
	v10 =	vpop (erf)  }
0x6b: {  	v11 =	vmov s30;
	v12 =	vmul.f32 v10, v58;
	v13 =	vmul.f32 v10, v59  }
0x6c: {  	v11 =	vshll.u32 v11, $0x7;
	v5 =	vmul.f32 $6.931471820e-01, v5;
	v6 =	vmul.f32 v6, v8  }
0x6d: {  	v9 =	vadd.f32 $-1.000000000e+00, v9;
	v8 =	vmul.f32 v10, v60;
	vm11 =	vgt.f32 v13, v12  }
0x6e: {  	v3 =	vadd.f32 v3, v7;
	v5 =	vadd.f32 v6, v5;
	v6 =	vsel vm11, v13, v12;
	v7 =	vpop (erf)  }
0x6f: {  	v14 =	vmul.f32 v10, v28;
	v7 =	vmul.f32 v7, v9;
	vm12 =	vgt.f32 v8, v6  }
0x70: {  	v11 =	vor.u32 v2, v11;
	v9 =	vmul.f32 v10, v31;
	v6 =	vsel vm12, v8, v6  }
0x71: {  	v10 =	vmul.f32 v10, v30;
	v15 =	vmul.f32 v7, v7;
	vm13 =	vgt.f32 v14, v6  }
0x72: {  	v61 =	vsel vm11, $0x1, v1;
	v12 =	vmul.f32 v12, v16;
	v6 =	vsel vm13, v14, v6  }
0x73: {  	v22 =	vsel vm12, $0x2, v61;
	v62 =	vmul.f32 v15, v0;
	vm14 =	vgt.f32 v10, v6  }
0x74: {  	v16 =	vadd.f32 v17, v16;
	v22 =	vsel vm13, $0x3, v22;
	v6 =	vsel vm14, v10, v6  }
0x75: {  	s13 =	simm.s32 $0x20;
	s14 =	simm.s32 $0x100;
	vm15 =	vgt.f32 v9, v6;
	v6 =	vsel vm14, $0x4, v22;
	v63 =	vadd.f32 $1.428571490e-01, v62  }
0x76: {  	s31 =	sand.u32 $0x60, s13;
	s16 =	sand.u32 $0xC00, s14;
	v13 =	vmul.f32 v13, v17;
	v16 =	vadd.f32 v16, v18;
	v6 =	vsel vm15, $0x5, v6  }
0x77: {  	v3 =	vsub.f32 $0.0e+00, v3;
	s15 =	sor.u32 s31, s16;
	v5 =	vmul.f32 $1.000000120e+00, v5;
	[tilespmem:v11+s10+$0x0] =	vst.idx.msk $0xffff, v6;
	v6 =	vmul.f32 v63, v15  }
0x78: {  	v12 =	vadd.f32 v13, v12;
	v8 =	vmul.f32 v8, v18;
	v11 =	vadd.f32 v16, v19;
	v16 =	vld [tilespmem:s15+$0x0]  }
0x79: {  	v3 =	vadd.f32 v5, v3;
	v17 =	vld [tilespmem:s15+$0x80];
	v5 =	vadd.f32 $2.000000030e-01, v6  }
0x7a: {  	v4 =	vmul.f32 $9.999999930e-09, v4;
	v8 =	vadd.f32 v12, v8;
	v6 =	vmul.f32 v14, v19;
	v14 =	vld [tilespmem:s15+$0x100]  }
0x7b: {  	v18 =	vld [tilespmem:s15+$0x180];
	v11 =	vadd.f32 v11, v20;
	v12 =	vmul.f32 v5, v15  }
0x7c: {  	v5 =	vsub.f32 v3, v4;
	v3 =	vadd.f32 v8, v6;
	v8 =	vmul.f32 v10, v20;
	v4 =	vld [tilespmem:s15+$0x200]  }
0x7d: {  	v9 =	vmul.f32 v9, v21;
	v19 =	vld [tilespmem:s15+$0x280];
	v6 =	vadd.f32 v11, v21;
	v11 =	vadd.f32 $3.333333430e-01, v12  }
0x7e: {  	v10 =	vshra.s32 v26, $0x17;
	v3 =	vadd.f32 v3, v8;
	v8 =	vmax.f32 v16, v17  }
0x7f: {  	v10 =	vadd.s32 $0xFFFFFF81, v10;
	v8 =	vmax.f32 v8, v14;
	v11 =	vmul.f32 v11, v15  }
0x80: {  	v10 =	vcvt.s32.f32 v10;
	v3 =	vadd.f32 v3, v9;
	v8 =	vmax.f32 v8, v18  }
0x81: {  	v7 =	vadd.f32 v7, v7;
	v8 =	vmax.f32 v8, v4;
	v9 =	vadd.f32 $1.000000000e+00, v11  }
0x82: {  	v20 =	vmul.f32 $6.931471820e-01, v10;
	v13 =	vmax.f32 v8, v19;
	v12 =	vsub.f32 $0.0e+00, v3  }
0x83: {  	v10 =	vsub.f32 v16, v13;
	v11 =	vsub.f32 v17, v13;
	v7 =	vmul.f32 v9, v7  }
0x84: {  	v3 =	vimm.f32 $0.0e+00;
	v8 =	vsub.f32 v18, v13;
	v9 =	vsub.f32 v14, v13  }
0x85: {  	v16 =	vmul.f32 $1.442695020e+00, v10;
	v15 =	vmul.f32 $1.442695020e+00, v11;
	v20 =	vadd.f32 v7, v20  }
0x86: {  	v14 =	vmul.f32 $1.442695020e+00, v8;
	v18 =	vadd.f32 v11, v10;
	v17 =	vmul.f32 $1.442695020e+00, v9  }
0x87: {  	s15 =	simm.s32 $0x40;
	v7 =	vsub.f32 v19, v13;
	(erf) = vpow2.f32 v16;
	v16 =	vmul.f32 $1.000000120e+00, v20  }
.LBB2_2:
0x88: {  	p0 =	sne.s32 s15, $0x1E0;
	v18 =	vadd.f32 v18, v9;
	(erf) = vpow2.f32 v15;
	s17 =	smov.u32 s15;
	s15 =	sadd.s32 $0x20, s15  }
0x89: {  	v6 =	vmul.f32 $9.999999930e-09, v6;
	v15 =	vmul.f32 $1.442695020e+00, v7;
	v12 =	vadd.f32 v16, v12  }
0x8a: {  	v13 =	vsub.f32 v4, v13;
	v4 =	vadd.f32 v18, v8;
	(erf) = vpow2.f32 v17  }
0x8b: {  	v3 =	vadd.f32 v5, v3;
	v5 =	vsub.f32 v12, v6  }
0x8c: {  	v6 =	vmul.f32 $1.442695020e+00, v13;
	v4 =	vadd.f32 v4, v13;
	(erf) = vpow2.f32 v14  }
0x8d: {  	v3 =	vadd.f32 v5, v3  }
0x8e: {  	v4 =	vadd.f32 v4, v7;
	(erf) = vpow2.f32 v6;
	_ =	sdelay $0x1  }
0x8f: {  	v5 =	vpop (erf);
	(erf) = vpow2.f32 v15  }
0x90: {  	v6 =	vpop (erf)  }
0x91: {  	v12 =	vadd.f32 v6, v5  }
0x92: {  	v14 =	vpop (erf)  }
0x93: {  	v12 =	vadd.f32 v12, v14  }
0x94: {  	v15 =	vpop (erf)  }
0x95: {  	v12 =	vadd.f32 v12, v15  }
0x96: {  	v16 =	vpop (erf)  }
0x97: {  	v12 =	vadd.f32 v12, v16  }
0x98: {  	v17 =	vpop (erf)  }
0x99: {  	v12 =	vadd.f32 v12, v17;
	_ =	sdelay $0x1  }
0x9a: {  	v18 =	vshra.s32 v12, $0x17;
	v19 =	vand.u32 $0x7FFFFF, v12;
	(erf) = vrcp.f32 v12  }
0x9b: {  	v12 =	vadd.s32 $0xFFFFFF81, v18;
	v18 =	vor.u32 $0x3F800000, v19  }
0x9c: {  	v19 =	vadd.f32 $1.000000000e+00, v18;
	v12 =	vcvt.s32.f32 v12;
	_ =	sdelay $0x1  }
0x9d: {  	(erf) = vrcp.f32 v19;
	_ =	sdelay $0x4  }
0x9e: {  	v19 =	vpop (erf)  }
0x9f: {  	v5 =	vmul.f32 v19, v5;
	v6 =	vmul.f32 v19, v6  }
0xa0: {  	v21 =	vmov s13;
	v18 =	vadd.f32 $-1.000000000e+00, v18;
	v17 =	vmul.f32 v19, v17  }
0xa1: {  	v14 =	vmul.f32 v19, v14;
	v11 =	vmul.f32 v6, v11;
	vm0 =	vgt.f32 v6, v5  }
0xa2: {  	v10 =	vmul.f32 v5, v10;
	v5 =	vsel vm0, v6, v5;
	v6 =	vshll.u32 v21, $0x7;
	v20 =	vpop (erf)  }
0xa3: {  	v15 =	vmul.f32 v19, v15;
	v9 =	vmul.f32 v14, v9;
	vm1 =	vgt.f32 v14, v5  }
0xa4: {  	v18 =	vmul.f32 v20, v18;
	v10 =	vadd.f32 v11, v10;
	v5 =	vsel vm1, v14, v5  }
0xa5: {  	v11 =	vmul.f32 v19, v16;
	v6 =	vor.u32 v2, v6;
	vm2 =	vgt.f32 v15, v5  }
0xa6: {  	v16 =	vsel vm0, $0x1, v1;
	v14 =	vmul.f32 v18, v18;
	v5 =	vsel vm2, v15, v5  }
0xa7: {  	v9 =	vadd.f32 v10, v9;
	v10 =	vsel vm1, $0x2, v16;
	vm0 =	vgt.f32 v11, v5  }
0xa8: {  	v10 =	vsel vm2, $0x3, v10;
	v16 =	vmul.f32 v14, v0;
	v5 =	vsel vm0, v11, v5  }
0xa9: {  	s18 =	sadd.s32 $0x10, s13;
	s13 =	smov.u32 s17;
	v8 =	vmul.f32 v15, v8;
	v10 =	vsel vm0, $0x4, v10;
	vm0 =	vgt.f32 v17, v5  }
0xaa: {  	s17 =	sand.u32 $0x70, s18;
	v11 =	vmul.f32 v11, v13;
	v5 =	vadd.f32 $1.428571490e-01, v16;
	v10 =	vsel vm0, $0x5, v10  }
0xab: {  	s16 =	sor.u32 s17, s16;
	v7 =	vmul.f32 v17, v7;
	v8 =	vadd.f32 v9, v8;
	[tilespmem:v6+s10+$0x0] =	vst.idx.msk $0xffff, v10;
	v6 =	vmov s18  }
0xac: {  	v5 =	vmul.f32 v5, v14;
	v9 =	vld [tilespmem:s16+$0x0];
	v10 =	vshll.u32 v6, $0x7  }
0xad: {  	v6 =	vadd.f32 v8, v11;
	v8 =	vld [tilespmem:s16+$0x80]  }
0xae: {  	v5 =	vadd.f32 $2.000000030e-01, v5;
	v11 =	vld [tilespmem:s16+$0x100]  }
0xaf: {  	v6 =	vadd.f32 v6, v7;
	v7 =	vld [tilespmem:s16+$0x180]  }
0xb0: {  	v5 =	vmul.f32 v5, v14;
	v13 =	vld [tilespmem:s16+$0x200]  }
0xb1: {  	v15 =	vld [tilespmem:s16+$0x280]  }
0xb2: {  	v5 =	vadd.f32 $3.333333430e-01, v5;
	v16 =	vmax.f32 v9, v8  }
0xb3: {  	v16 =	vmax.f32 v16, v11  }
0xb4: {  	v5 =	vmul.f32 v5, v14;
	v14 =	vmax.f32 v16, v7  }
0xb5: {  	v14 =	vmax.f32 v14, v13  }
0xb6: {  	v16 =	vadd.f32 v18, v18;
	v5 =	vadd.f32 $1.000000000e+00, v5;
	v14 =	vmax.f32 v14, v15  }
0xb7: {  	v12 =	vmul.f32 $6.931471820e-01, v12;
	v9 =	vsub.f32 v9, v14;
	v8 =	vsub.f32 v8, v14  }
0xb8: {  	v5 =	vmul.f32 v5, v16;
	v11 =	vsub.f32 v11, v14;
	v7 =	vsub.f32 v7, v14  }
0xb9: {  	v13 =	vsub.f32 v13, v14;
	v16 =	vmul.f32 $1.442695020e+00, v9;
	v17 =	vmul.f32 $1.442695020e+00, v8  }
0xba: {  	v14 =	vsub.f32 v15, v14;
	v15 =	vmul.f32 $1.442695020e+00, v11;
	v18 =	vmul.f32 $1.442695020e+00, v7  }
0xbb: {  	v19 =	vmul.f32 $1.442695020e+00, v13;
	v20 =	vadd.f32 v8, v9;
	(erf) = vpow2.f32 v16  }
0xbc: {  	v5 =	vadd.f32 v5, v12;
	v12 =	vmul.f32 $1.442695020e+00, v14;
	(erf) = vpow2.f32 v17  }
0xbd: {  	v16 =	vadd.f32 v20, v11  }
0xbe: {  	v6 =	vsub.f32 $0.0e+00, v6;
	v5 =	vmul.f32 $1.000000120e+00, v5;
	(erf) = vpow2.f32 v15  }
0xbf: {  	v15 =	vadd.f32 v16, v7  }
0xc0: {  	v4 =	vmul.f32 $9.999999930e-09, v4;
	v5 =	vadd.f32 v5, v6;
	(erf) = vpow2.f32 v18  }
0xc1: {  	v6 =	vadd.f32 v15, v13  }
0xc2: {  	v5 =	vsub.f32 v5, v4;
	(erf) = vpow2.f32 v19  }
0xc3: {  	v6 =	vadd.f32 v6, v14  }
0xc4: {  	v4 =	vpop (erf);
	(erf) = vpow2.f32 v12  }
0xc5: {  	v12 =	vpop (erf)  }
0xc6: {  	v15 =	vadd.f32 v12, v4  }
0xc7: {  	v16 =	vpop (erf)  }
0xc8: {  	v15 =	vadd.f32 v15, v16  }
0xc9: {  	v17 =	vpop (erf)  }
0xca: {  	v15 =	vadd.f32 v15, v17  }
0xcb: {  	v18 =	vpop (erf)  }
0xcc: {  	v15 =	vadd.f32 v15, v18  }
0xcd: {  	v19 =	vpop (erf)  }
0xce: {  	v15 =	vadd.f32 v15, v19;
	_ =	sdelay $0x1  }
0xcf: {  	v20 =	vshra.s32 v15, $0x17;
	v21 =	vand.u32 $0x7FFFFF, v15;
	(erf) = vrcp.f32 v15  }
0xd0: {  	v15 =	vadd.s32 $0xFFFFFF81, v20;
	v20 =	vor.u32 $0x3F800000, v21  }
0xd1: {  	v21 =	vadd.f32 $1.000000000e+00, v20;
	v15 =	vcvt.s32.f32 v15;
	_ =	sdelay $0x1  }
0xd2: {  	(erf) = vrcp.f32 v21;
	_ =	sdelay $0x4  }
0xd3: {  	v21 =	vpop (erf)  }
0xd4: {  	v4 =	vmul.f32 v21, v4;
	v22 =	vmul.f32 v21, v12  }
0xd5: {  	v10 =	vor.u32 v2, v10;
	v19 =	vmul.f32 v21, v19  }
0xd6: {  	v20 =	vadd.f32 $-1.000000000e+00, v20;
	v16 =	vmul.f32 v21, v16;
	vm0 =	vgt.f32 v22, v4  }
0xd7: {  	v9 =	vmul.f32 v4, v9;
	v8 =	vmul.f32 v22, v8;
	v4 =	vsel vm0, v22, v4;
	v12 =	vpop (erf)  }
0xd8: {  	v17 =	vmul.f32 v21, v17;
	v12 =	vmul.f32 v12, v20;
	vm1 =	vgt.f32 v16, v4  }
0xd9: {  	v8 =	vadd.f32 v8, v9;
	v9 =	vmul.f32 v16, v11;
	v4 =	vsel vm1, v16, v4  }
0xda: {  	v11 =	vmul.f32 v21, v18;
	v16 =	vmul.f32 v12, v12;
	vm2 =	vgt.f32 v17, v4  }
0xdb: {  	v7 =	vmul.f32 v17, v7;
	v18 =	vsel vm0, $0x1, v1;
	v4 =	vsel vm2, v17, v4  }
0xdc: {  	v18 =	vsel vm1, $0x2, v18;
	v17 =	vmul.f32 v16, v0;
	vm0 =	vgt.f32 v11, v4  }
0xdd: {  	s14 =	sadd.s32 $0x100, s14;
	v8 =	vadd.f32 v8, v9;
	v9 =	vsel vm2, $0x3, v18;
	v4 =	vsel vm0, v11, v4  }
0xde: {  	s17 =	sand.u32 $0x60, s13;
	s16 =	sand.u32 $0xC00, s14;
	v9 =	vsel vm0, $0x4, v9;
	v17 =	vadd.f32 $1.428571490e-01, v17;
	vm0 =	vgt.f32 v19, v4  }
0xdf: {  	s17 =	sor.u32 s17, s16;
	v4 =	vadd.f32 v8, v7;
	v7 =	vmul.f32 v11, v13;
	v8 =	vsel vm0, $0x5, v9  }
0xe0: {  	v11 =	vmul.f32 v19, v14;
	v9 =	vmul.f32 v17, v16;
	[tilespmem:v10+s10+$0x0] =	vst.idx.msk $0xffff, v8  }
0xe1: {  	v4 =	vadd.f32 v4, v7;
	v8 =	vld [tilespmem:s17+$0x0]  }
0xe2: {  	v7 =	vld [tilespmem:s17+$0x80];
	v9 =	vadd.f32 $2.000000030e-01, v9  }
0xe3: {  	v10 =	vadd.f32 v4, v11;
	v14 =	vld [tilespmem:s17+$0x100]  }
0xe4: {  	v17 =	vld [tilespmem:s17+$0x180];
	v9 =	vmul.f32 v9, v16  }
0xe5: {  	v4 =	vld [tilespmem:s17+$0x200]  }
0xe6: {  	v19 =	vld [tilespmem:s17+$0x280];
	v9 =	vadd.f32 $3.333333430e-01, v9  }
0xe7: {  	v11 =	vmax.f32 v8, v7  }
0xe8: {  	v11 =	vmax.f32 v11, v14;
	v9 =	vmul.f32 v9, v16  }
0xe9: {  	v11 =	vmax.f32 v11, v17  }
0xea: {  	v16 =	vadd.f32 v12, v12;
	v11 =	vmax.f32 v11, v4;
	v9 =	vadd.f32 $1.000000000e+00, v9  }
0xeb: {  	v18 =	vmul.f32 $6.931471820e-01, v15;
	v12 =	vsub.f32 $0.0e+00, v10;
	v13 =	vmax.f32 v11, v19  }
.Ltmp0:
0xec: {  	v10 =	vsub.f32 v8, v13;
	v11 =	vsub.f32 v7, v13;
	v7 =	vmul.f32 v9, v16;
	(pc) =	sbr.rel @p0 .LBB2_2-.Ltmp0, $4  }
0xed: {  	v9 =	vsub.f32 v14, v13;
	v8 =	vsub.f32 v17, v13  }
0xee: {  	v16 =	vmul.f32 $1.442695020e+00, v10;
	v15 =	vmul.f32 $1.442695020e+00, v11;
	v20 =	vadd.f32 v7, v18  }
0xef: {  	v17 =	vmul.f32 $1.442695020e+00, v9;
	v14 =	vmul.f32 $1.442695020e+00, v8;
	v18 =	vadd.f32 v11, v10  }
0xf0: {  	v7 =	vsub.f32 v19, v13;
	(erf) = vpow2.f32 v16;
	v16 =	vmul.f32 $1.000000120e+00, v20  }
0xf1: {  	(erf) = vpow2.f32 v15;
	_ =	sdelay $0x1  }
0xf2: {  	v15 =	vsub.f32 v4, v13;
	(erf) = vpow2.f32 v17;
	_ =	sdelay $0x1  }
0xf3: {  	v4 =	vmul.f32 $1.442695020e+00, v15;
	(erf) = vpow2.f32 v14  }
0xf4: {  	v13 =	vmul.f32 $1.442695020e+00, v7  }
0xf5: {  	(erf) = vpow2.f32 v4;
	_ =	sdelay $0x1  }
0xf6: {  	(erf) = vpow2.f32 v13;
	v4 =	vpop (erf)  }
0xf7: {  	v13 =	vpop (erf)  }
0xf8: {  	v14 =	vadd.f32 v13, v4  }
0xf9: {  	v17 =	vpop (erf)  }
0xfa: {  	v14 =	vadd.f32 v14, v17  }
0xfb: {  	v19 =	vpop (erf)  }
0xfc: {  	v14 =	vadd.f32 v14, v19  }
0xfd: {  	v21 =	vpop (erf)  }
0xfe: {  	v14 =	vadd.f32 v14, v21  }
0xff: {  	v22 =	vpop (erf)  }
0x100: {  	v20 =	vadd.f32 v14, v22;
	_ =	sdelay $0x1  }
0x101: {  	(erf) = vrcp.f32 v20;
	_ =	sdelay $0x8  }
0x102: {  	v14 =	vpop (erf)  }
0x103: {  	v37 =	vmul.f32 v14, v4;
	v40 =	vmul.f32 v14, v13;
	_ =	sdelay $0x1  }
0x104: {  	v36 =	vmul.f32 v14, v17;
	vm0 =	vgt.f32 v40, v37  }
0x105: {  	v4 =	vsel vm0, v40, v37  }
0x106: {  	v29 =	vmul.f32 v14, v19;
	vm1 =	vgt.f32 v36, v4  }
0x107: {  	v13 =	vmov s13;
	v4 =	vsel vm1, v36, v4  }
0x108: {  	v26 =	vmul.f32 v14, v21;
	v13 =	vshll.u32 v13, $0x7;
	vm2 =	vgt.f32 v29, v4  }
0x109: {  	v13 =	vor.u32 v2, v13;
	v17 =	vsel vm0, $0x1, v1;
	v4 =	vsel vm2, v29, v4  }
0x10a: {  	v21 =	vmul.f32 v14, v22;
	v14 =	vsel vm1, $0x2, v17;
	vm11 =	vgt.f32 v26, v4  }
0x10b: {  	v14 =	vsel vm2, $0x3, v14;
	v4 =	vsel vm11, v26, v4  }
0x10c: {  	s24 =	sadd.s32 $0x10, s13;
	v14 =	vsel vm11, $0x4, v14;
	vm12 =	vgt.f32 v21, v4  }
0x10d: {  	s14 =	sand.u32 $0x70, s24;
	v4 =	vsel vm12, $0x5, v14  }
0x10e: {  	s14 =	sor.u32 s14, s16;
	[tilespmem:v13+s10+$0x0] =	vst.idx.msk $0xffff, v4  }
0x10f: {  	v4 =	vld [tilespmem:s14+$0x0]  }
0x110: {  	v13 =	vld [tilespmem:s14+$0x80]  }
0x111: {  	v14 =	vld [tilespmem:s14+$0x100]  }
0x112: {  	v17 =	vld [tilespmem:s14+$0x180]  }
0x113: {  	v24 =	vld [tilespmem:s14+$0x200]  }
0x114: {  	v25 =	vld [tilespmem:s14+$0x280]  }
0x115: {  	v19 =	vmax.f32 v4, v13  }
0x116: {  	v19 =	vmax.f32 v19, v14  }
0x117: {  	v19 =	vmax.f32 v19, v17  }
0x118: {  	v19 =	vmax.f32 v19, v24  }
0x119: {  	v46 =	vand.u32 $0x7FFFFF, v20;
	v27 =	vmax.f32 v19, v25  }
0x11a: {  	v43 =	vor.u32 $0x3F800000, v46;
	v23 =	vsub.f32 v4, v27  }
0x11b: {  	v4 =	vadd.f32 $1.000000000e+00, v43;
	v22 =	vsub.f32 v13, v27  }
0x11c: {  	v13 =	vmul.f32 $1.442695020e+00, v23  }
0x11d: {  	v19 =	vsub.f32 v14, v27;
	(erf) = vrcp.f32 v4;
	v4 =	vmul.f32 $1.442695020e+00, v22  }
0x11e: {  	(erf) = vpow2.f32 v13  }
0x11f: {  	v17 =	vsub.f32 v17, v27;
	v13 =	vmul.f32 $1.442695020e+00, v19;
	(erf) = vpow2.f32 v4;
	_ =	sdelay $0x1  }
0x120: {  	v14 =	vsub.f32 v24, v27;
	v4 =	vmul.f32 $1.442695020e+00, v17;
	(erf) = vpow2.f32 v13  }
0x121: {  	v13 =	vsub.f32 v25, v27  }
0x122: {  	v24 =	vmul.f32 $1.442695020e+00, v14;
	(erf) = vpow2.f32 v4  }
0x123: {  	v4 =	vmul.f32 $1.442695020e+00, v13  }
0x124: {  	(erf) = vpow2.f32 v24  }
0x125: {  	v44 =	vpop (erf)  }
0x126: {  	v47 =	vpop (erf);
	(erf) = vpow2.f32 v4  }
0x127: {  	v4 =	vpop (erf)  }
0x128: {  	v48 =	vadd.f32 v4, v47  }
0x129: {  	v49 =	vpop (erf)  }
0x12a: {  	v25 =	vadd.f32 v48, v49  }
0x12b: {  	v28 =	vpop (erf)  }
0x12c: {  	v25 =	vadd.f32 v25, v28  }
0x12d: {  	v30 =	vpop (erf)  }
0x12e: {  	v25 =	vadd.f32 v25, v30  }
0x12f: {  	v32 =	vpop (erf)  }
0x130: {  	v25 =	vadd.f32 v25, v32;
	_ =	sdelay $0x1  }
0x131: {  	(erf) = vrcp.f32 v25;
	_ =	sdelay $0x8  }
0x132: {  	v33 =	vpop (erf)  }
0x133: {  	v42 =	vmul.f32 v33, v47;
	v41 =	vmul.f32 v33, v4;
	_ =	sdelay $0x1  }
0x134: {  	v38 =	vmul.f32 v33, v49;
	vm13 =	vgt.f32 v41, v42  }
0x135: {  	v4 =	vsel vm13, v41, v42  }
0x136: {  	v34 =	vmul.f32 v33, v28;
	vm14 =	vgt.f32 v38, v4  }
0x137: {  	v50 =	vmov s24;
	v4 =	vsel vm14, v38, v4  }
0x138: {  	v24 =	vshll.u32 v50, $0x7;
	v31 =	vmul.f32 v33, v30;
	vm15 =	vgt.f32 v34, v4  }
0x139: {  	v24 =	vor.u32 v2, v24;
	v51 =	vsel vm13, $0x1, v1;
	v4 =	vsel vm15, v34, v4  }
0x13a: {  	v28 =	vmul.f32 v33, v32;
	v27 =	vsel vm14, $0x2, v51;
	vm4 =	vgt.f32 v31, v4  }
0x13b: {  	s25 =	simm.s32 $0x0;
	v27 =	vsel vm15, $0x3, v27;
	v4 =	vsel vm4, v31, v4  }
0x13c: {  	s16 =	sand.u32 $0xC00, s25;
	v27 =	vsel vm4, $0x4, v27;
	vm5 =	vgt.f32 v28, v4  }
0x13d: {  	s15 =	sand.u32 $0x60, s25;
	s21 =	sor.u32 $0x1080, s16;
	v4 =	vsel vm5, $0x5, v27  }
0x13e: {  	s22 =	sor.u32 $0x1000, s16;
	s26 =	sor.u32 s15, s21;
	[tilespmem:v24+s10+$0x0] =	vst.idx.msk $0xffff, v4  }
0x13f: {  	s20 =	sor.u32 $0x1100, s16;
	s17 =	sor.u32 s15, s22;
	v4 =	vld [tilespmem:s26+$0x0]  }
0x140: {  	s19 =	sor.u32 $0x1180, s16;
	s28 =	sor.u32 s15, s20;
	v24 =	vld [tilespmem:s17+$0x0]  }
0x141: {  	s18 =	sor.u32 $0x1200, s16;
	s23 =	sor.u32 s15, s19;
	v52 =	vld [tilespmem:s28+$0x0]  }
0x142: {  	s29 =	sor.u32 $0x1280, s16;
	s30 =	sor.u32 s15, s18;
	v53 =	vld [tilespmem:s23+$0x0]  }
0x143: {  	s31 =	sor.u32 s15, s29;
	v39 =	vld [tilespmem:s30+$0x0]  }
0x144: {  	v45 =	vld [tilespmem:s31+$0x0]  }
0x145: {  	v54 =	vmax.f32 v24, v4  }
0x146: {  	v32 =	vmax.f32 v54, v52  }
0x147: {  	v32 =	vmax.f32 v32, v53  }
0x148: {  	v32 =	vmax.f32 v32, v39  }
0x149: {  	v55 =	vand.u32 $0x7FFFFF, v25;
	v46 =	vmax.f32 v32, v45  }
0x14a: {  	v49 =	vor.u32 $0x3F800000, v55;
	v33 =	vsub.f32 v24, v46  }
0x14b: {  	v56 =	vadd.f32 $1.000000000e+00, v49;
	v35 =	vsub.f32 v4, v46  }
0x14c: {  	v4 =	vmul.f32 $1.442695020e+00, v33  }
0x14d: {  	(erf) = vrcp.f32 v56;
	v32 =	vsub.f32 v52, v46;
	v57 =	vmul.f32 $1.442695020e+00, v35  }
0x14e: {  	(erf) = vpow2.f32 v4  }
0x14f: {  	v30 =	vsub.f32 v53, v46;
	v4 =	vmul.f32 $1.442695020e+00, v32;
	(erf) = vpow2.f32 v57;
	_ =	sdelay $0x1  }
0x150: {  	v27 =	vsub.f32 v39, v46;
	v58 =	vmul.f32 $1.442695020e+00, v30;
	(erf) = vpow2.f32 v4;
	_ =	sdelay $0x1  }
0x151: {  	v24 =	vsub.f32 v45, v46;
	v4 =	vmul.f32 $1.442695020e+00, v27;
	(erf) = vpow2.f32 v58;
	_ =	sdelay $0x1  }
0x152: {  	v59 =	vmul.f32 $1.442695020e+00, v24;
	(erf) = vpow2.f32 v4  }
0x153: {  	v50 =	vpop (erf)  }
0x154: {  	v4 =	vpop (erf);
	(erf) = vpow2.f32 v59  }
0x155: {  	v60 =	vpop (erf)  }
0x156: {  	v61 =	vadd.f32 v60, v4  }
0x157: {  	v62 =	vpop (erf)  }
0x158: {  	v39 =	vadd.f32 v61, v62  }
0x159: {  	v51 =	vpop (erf)  }
0x15a: {  	v39 =	vadd.f32 v39, v51  }
0x15b: {  	v52 =	vpop (erf)  }
0x15c: {  	v39 =	vadd.f32 v39, v52  }
0x15d: {  	v53 =	vpop (erf)  }
0x15e: {  	v39 =	vadd.f32 v39, v53;
	_ =	sdelay $0x1  }
0x15f: {  	(erf) = vrcp.f32 v39;
	_ =	sdelay $0x4  }
0x160: {  	v43 =	vadd.f32 $-1.000000000e+00, v43;
	_ =	sdelay $0x1  }
0x161: {  	v54 =	vmul.f32 v44, v43;
	_ =	sdelay $0x1  }
0x162: {  	v6 =	vmul.f32 $9.999999930e-09, v6;
	v55 =	vmul.f32 v54, v54;
	v63 =	vpop (erf)  }
0x163: {  	v12 =	vadd.f32 v16, v12;
	v47 =	vmul.f32 v63, v4;
	v48 =	vmul.f32 v63, v60  }
0x164: {  	v18 =	vadd.f32 v18, v9;
	v3 =	vadd.f32 v5, v3;
	v56 =	vmul.f32 v55, v0  }
0x165: {  	v5 =	vsub.f32 v12, v6;
	v45 =	vmul.f32 v63, v62;
	vm6 =	vgt.f32 v48, v47  }
0x166: {  	v11 =	vmul.f32 v40, v11;
	v56 =	vadd.f32 $1.428571490e-01, v56;
	v4 =	vsel vm6, v48, v47  }
0x167: {  	v60 =	vmov s25;
	v46 =	vmul.f32 v63, v51;
	vm7 =	vgt.f32 v45, v4  }
0x168: {  	v44 =	vmul.f32 v63, v52;
	v61 =	vshll.u32 v60, $0x7;
	v62 =	vsel vm7, v45, v4  }
0x169: {  	v43 =	vmul.f32 v63, v53;
	v4 =	vor.u32 v2, v61;
	vm8 =	vgt.f32 v46, v62  }
0x16a: {  	v63 =	vsel vm6, $0x1, v1;
	v51 =	vor.u32 $0x1, v4;
	v52 =	vsel vm8, v46, v62  }
0x16b: {  	v53 =	vsel vm7, $0x2, v63;
	v61 =	vmul.f32 v56, v55;
	vm9 =	vgt.f32 v44, v52  }
0x16c: {  	v10 =	vmul.f32 v37, v10;
	v60 =	vsel vm8, $0x3, v53;
	v52 =	vsel vm9, v44, v52  }
0x16d: {  	s0 =	simm.s32 $0x10;
	v16 =	vadd.f32 $2.000000030e-01, v61;
	v40 =	vsel vm9, $0x4, v60;
	vm10 =	vgt.f32 v43, v52  }
0x16e: {  	v9 =	vmul.f32 v36, v9;
	v10 =	vadd.f32 v11, v10;
	s14 =	sand.u32 $0x70, s0;
	v62 =	vsel vm10, $0x5, v40  }
0x16f: {  	v11 =	vadd.f32 v18, v8;
	s22 =	sor.u32 s14, s22;
	v6 =	vmul.f32 v16, v55;
	[tilespmem:v51+s10+$0x0] =	vst.idx.msk $0xffff, v62  }
0x170: {  	v3 =	vadd.f32 v5, v3;
	v8 =	vmul.f32 v29, v8;
	v9 =	vadd.f32 v10, v9;
	s21 =	sor.u32 s14, s21;
	v12 =	vld [tilespmem:s22+$0x0]  }
0x171: {  	v10 =	vadd.f32 v11, v15;
	s20 =	sor.u32 s14, s20;
	v6 =	vadd.f32 $3.333333430e-01, v6;
	v11 =	vld [tilespmem:s21+$0x0]  }
0x172: {  	v5 =	vshra.s32 v20, $0x17;
	v15 =	vmul.f32 v26, v15;
	v8 =	vadd.f32 v9, v8;
	s19 =	sor.u32 s14, s19;
	v16 =	vld [tilespmem:s20+$0x0]  }
0x173: {  	v5 =	vadd.s32 $0xFFFFFF81, v5;
	v20 =	vadd.f32 v10, v7;
	s18 =	sor.u32 s14, s18;
	v18 =	vld [tilespmem:s19+$0x0];
	v6 =	vmul.f32 v6, v55  }
0x174: {  	v5 =	vcvt.s32.f32 v5;
	v8 =	vadd.f32 v8, v15;
	v9 =	vadd.f32 $-1.000000000e+00, v49;
	s17 =	sor.u32 s14, s29;
	v63 =	vld [tilespmem:s18+$0x0]  }
0x175: {  	v7 =	vmul.f32 v21, v7;
	v10 =	vadd.f32 v54, v54;
	v15 =	vld [tilespmem:s17+$0x0];
	v6 =	vadd.f32 $1.000000000e+00, v6  }
0x176: {  	v5 =	vmul.f32 $6.931471820e-01, v5;
	v53 =	vmul.f32 v50, v9;
	v51 =	vmax.f32 v12, v11  }
0x177: {  	v52 =	vadd.f32 v8, v7;
	v6 =	vmul.f32 v6, v10;
	v7 =	vmax.f32 v51, v16  }
0x178: {  	v54 =	vmul.f32 v53, v53;
	v8 =	vadd.f32 v22, v23;
	v7 =	vmax.f32 v7, v18  }
0x179: {  	v55 =	vadd.f32 v6, v5;
	v5 =	vand.u32 $0x7FFFFF, v39;
	v7 =	vmax.f32 v7, v63  }
0x17a: {  	v6 =	vmul.f32 v54, v0;
	v57 =	vor.u32 $0x3F800000, v5;
	v56 =	vmax.f32 v7, v15  }
0x17b: {  	v5 =	vmul.f32 v42, v23;
	v7 =	vadd.f32 $1.000000000e+00, v57;
	v10 =	vsub.f32 v12, v56  }
0x17c: {  	v9 =	vsub.f32 v11, v56;
	v11 =	vmul.f32 v41, v22;
	v12 =	vadd.f32 $1.428571490e-01, v6  }
0x17d: {  	v6 =	vsub.f32 v16, v56;
	(erf) = vrcp.f32 v7;
	v58 =	vmul.f32 $1.442695020e+00, v10  }
0x17e: {  	v7 =	vmul.f32 $1.442695020e+00, v9;
	v11 =	vadd.f32 v11, v5;
	v12 =	vmul.f32 v12, v54  }
0x17f: {  	v5 =	vsub.f32 v18, v56;
	v16 =	vmul.f32 $1.442695020e+00, v6;
	(erf) = vpow2.f32 v58  }
0x180: {  	v18 =	vadd.f32 v8, v19;
	v8 =	vmul.f32 v38, v19;
	(erf) = vpow2.f32 v7  }
0x181: {  	v7 =	vsub.f32 v63, v56;
	(erf) = vpow2.f32 v16;
	v16 =	vmul.f32 $1.442695020e+00, v5  }
0x182: {  	v12 =	vadd.f32 $2.000000030e-01, v12;
	v11 =	vadd.f32 v11, v8  }
0x183: {  	v8 =	vsub.f32 v15, v56;
	(erf) = vpow2.f32 v16;
	v16 =	vmul.f32 $1.442695020e+00, v7  }
0x184: {  	v12 =	vmul.f32 v12, v54  }
0x185: {  	(erf) = vpow2.f32 v16;
	v16 =	vmul.f32 $1.442695020e+00, v8  }
0x186: {  	v12 =	vadd.f32 $3.333333430e-01, v12  }
0x187: {  	v19 =	vshra.s32 v25, $0x17;
	v15 =	vadd.f32 v18, v17;
	v17 =	vmul.f32 v34, v17  }
0x188: {  	v19 =	vadd.s32 $0xFFFFFF81, v19;
	v12 =	vmul.f32 v12, v54;
	v60 =	vpop (erf)  }
0x189: {  	v11 =	vadd.f32 v11, v17;
	v17 =	vmul.f32 v31, v14;
	(erf) = vpow2.f32 v16;
	v16 =	vpop (erf)  }
0x18a: {  	v61 =	vadd.f32 v53, v53;
	v19 =	vcvt.s32.f32 v19;
	v12 =	vadd.f32 $1.000000000e+00, v12;
	v62 =	vpop (erf)  }
0x18b: {  	v63 =	vmul.f32 v28, v13;
	v11 =	vadd.f32 v11, v17;
	v17 =	vadd.f32 v62, v16  }
0x18c: {  	v34 =	vadd.f32 $-1.000000000e+00, v57;
	v19 =	vmul.f32 $6.931471820e-01, v19;
	v12 =	vmul.f32 v12, v61;
	v36 =	vpop (erf)  }
0x18d: {  	v14 =	vadd.f32 v15, v14;
	v17 =	vadd.f32 v17, v36  }
0x18e: {  	v11 =	vadd.f32 v11, v63;
	v12 =	vadd.f32 v12, v19;
	v19 =	vmul.f32 v60, v34;
	v37 =	vpop (erf)  }
0x18f: {  	v59 =	vmul.f32 $1.000000120e+00, v55;
	v18 =	vsub.f32 $0.0e+00, v52;
	v15 =	vadd.f32 v17, v37  }
0x190: {  	v11 =	vsub.f32 $0.0e+00, v11;
	v12 =	vmul.f32 $1.000000120e+00, v12;
	v38 =	vpop (erf);
	v17 =	vmul.f32 v19, v19  }
0x191: {  	v20 =	vmul.f32 $9.999999930e-09, v20;
	v18 =	vadd.f32 v59, v18;
	v15 =	vadd.f32 v15, v38  }
0x192: {  	v13 =	vadd.f32 v14, v13;
	v11 =	vadd.f32 v12, v11;
	v14 =	vpop (erf);
	v12 =	vmul.f32 v17, v0  }
0x193: {  	v18 =	vsub.f32 v18, v20;
	v15 =	vadd.f32 v15, v14  }
0x194: {  	v40 =	vmul.f32 v48, v35;
	v20 =	vmul.f32 v47, v33;
	v12 =	vadd.f32 $1.428571490e-01, v12  }
0x195: {  	v18 =	vadd.f32 v18, v3;
	v3 =	vadd.f32 v35, v33;
	v41 =	vand.u32 $0x7FFFFF, v15  }
0x196: {  	v12 =	vmul.f32 v12, v17;
	(erf) = vrcp.f32 v15;
	v26 =	vor.u32 $0x3F800000, v41  }
0x197: {  	v3 =	vadd.f32 v3, v32;
	v42 =	vadd.f32 $1.000000000e+00, v26  }
0x198: {  	v45 =	vmul.f32 v45, v32;
	v20 =	vadd.f32 v40, v20;
	v12 =	vadd.f32 $2.000000030e-01, v12  }
0x199: {  	v50 =	vmul.f32 v43, v24;
	v3 =	vadd.f32 v3, v30;
	(erf) = vrcp.f32 v42  }
0x19a: {  	v47 =	vmul.f32 v46, v30;
	v20 =	vadd.f32 v20, v45;
	v12 =	vmul.f32 v12, v17  }
0x19b: {  	v48 =	vshra.s32 v39, $0x17;
	v13 =	vmul.f32 $9.999999930e-09, v13;
	v3 =	vadd.f32 v3, v27  }
0x19c: {  	v51 =	vmov s0;
	v20 =	vadd.f32 v20, v47;
	v12 =	vadd.f32 $3.333333430e-01, v12  }
0x19d: {  	v49 =	vadd.f32 v3, v24;
	v11 =	vsub.f32 v11, v13;
	v13 =	vmul.f32 v44, v27  }
0x19e: {  	v3 =	vadd.s32 $0xFFFFFF81, v48;
	v19 =	vadd.f32 v19, v19;
	v12 =	vmul.f32 v12, v17  }
0x19f: {  	v13 =	vadd.f32 v20, v13;
	v20 =	vcvt.s32.f32 v3;
	v17 =	vshll.u32 v51, $0x7;
	v52 =	vpop (erf)  }
0x1a0: {  	v12 =	vadd.f32 $1.000000000e+00, v12;
	v16 =	vmul.f32 v52, v16;
	v25 =	vmul.f32 v52, v62  }
0x1a1: {  	v3 =	vor.u32 v2, v17;
	v17 =	vmul.f32 $6.931471820e-01, v20;
	v20 =	vadd.f32 $-1.000000000e+00, v26  }
0x1a2: {  	v12 =	vmul.f32 v12, v19;
	v19 =	vmul.f32 v52, v36;
	vm11 =	vgt.f32 v25, v16;
	v53 =	vpop (erf)  }
0x1a3: {  	v13 =	vadd.f32 v13, v50;
	v54 =	vsel vm11, v25, v16;
	v20 =	vmul.f32 v53, v20  }
0x1a4: {  	v12 =	vadd.f32 v12, v17;
	v17 =	vmul.f32 v52, v37;
	vm12 =	vgt.f32 v19, v54  }
0x1a5: {  	v55 =	vmul.f32 v52, v38;
	v24 =	vmul.f32 v52, v14;
	v56 =	vsel vm12, v19, v54  }
0x1a6: {  	v14 =	vor.u32 $0x1, v3;
	v57 =	vmul.f32 v20, v20;
	vm13 =	vgt.f32 v17, v56  }
0x1a7: {  	v58 =	vsel vm11, $0x1, v1;
	v16 =	vmul.f32 v16, v10;
	v22 =	vsel vm13, v17, v56  }
0x1a8: {  	v26 =	vsel vm12, $0x2, v58;
	v59 =	vmul.f32 v57, v0;
	vm14 =	vgt.f32 v55, v22  }
0x1a9: {  	s17 =	simm.s32 $0x100;
	v10 =	vadd.f32 v9, v10;
	v26 =	vsel vm13, $0x3, v26;
	v22 =	vsel vm14, v55, v22  }
0x1aa: {  	s13 =	simm.s32 $0x20;
	s19 =	sand.u32 $0xC00, s17;
	v60 =	vsel vm14, $0x4, v26;
	vm15 =	vgt.f32 v24, v22;
	v61 =	vadd.f32 $1.428571490e-01, v59  }
0x1ab: {  	s29 =	sand.u32 $0x60, s13;
	s20 =	sor.u32 $0x1080, s19;
	v9 =	vmul.f32 v25, v9;
	v22 =	vsel vm15, $0x5, v60  }
0x1ac: {  	s23 =	sor.u32 $0x1000, s19;
	s30 =	sor.u32 s29, s20;
	v13 =	vsub.f32 $0.0e+00, v13;
	v10 =	vadd.f32 v10, v6;
	[tilespmem:v14+s10+$0x0] =	vst.idx.msk $0xffff, v22;
	v14 =	vmul.f32 v61, v57  }
0x1ad: {  	s21 =	sor.u32 $0x1100, s19;
	s24 =	sor.u32 s29, s23;
	v6 =	vmul.f32 v19, v6;
	v9 =	vadd.f32 v9, v16;
	v12 =	vmul.f32 $1.000000120e+00, v12;
	v16 =	vld [tilespmem:s30+$0x0]  }
0x1ae: {  	s22 =	sor.u32 $0x1180, s19;
	s26 =	sor.u32 s29, s21;
	v63 =	vmul.f32 $9.999999930e-09, v49;
	v10 =	vadd.f32 v10, v5;
	v19 =	vld [tilespmem:s24+$0x0];
	v62 =	vadd.f32 $2.000000030e-01, v14  }
0x1af: {  	s25 =	sor.u32 $0x1200, s19;
	s28 =	sor.u32 s29, s22;
	v17 =	vmul.f32 v17, v5;
	v9 =	vadd.f32 v9, v6;
	v13 =	vadd.f32 v12, v13;
	v12 =	vld [tilespmem:s26+$0x0]  }
0x1b0: {  	s31 =	sor.u32 s29, s25;
	v5 =	vadd.f32 v11, v18;
	v10 =	vadd.f32 v10, v7;
	s24 =	sor.u32 $0x1280, s19;
	v14 =	vld [tilespmem:s28+$0x0];
	v18 =	vmul.f32 v62, v57  }
0x1b1: {  	v9 =	vadd.f32 v9, v17;
	v17 =	vmul.f32 v55, v7;
	v6 =	vsub.f32 v13, v63;
	v13 =	vld [tilespmem:s31+$0x0];
	s19 =	sor.u32 s29, s24  }
0x1b2: {  	v7 =	vadd.f32 v10, v8;
	v10 =	vshra.s32 v15, $0x17;
	v11 =	vld [tilespmem:s19+$0x0];
	v15 =	vadd.f32 $3.333333430e-01, v18  }
0x1b3: {  	v8 =	vmul.f32 v24, v8;
	v9 =	vadd.f32 v9, v17;
	v17 =	vmax.f32 v19, v16  }
0x1b4: {  	v10 =	vadd.s32 $0xFFFFFF81, v10;
	v17 =	vmax.f32 v17, v12;
	v15 =	vmul.f32 v15, v57  }
0x1b5: {  	v10 =	vcvt.s32.f32 v10;
	v8 =	vadd.f32 v9, v8;
	v9 =	vmax.f32 v17, v14  }
0x1b6: {  	v18 =	vadd.f32 v20, v20;
	v9 =	vmax.f32 v9, v13;
	v20 =	vadd.f32 $1.000000000e+00, v15  }
0x1b7: {  	v17 =	vmax.f32 v9, v11;
	v15 =	vmul.f32 $6.931471820e-01, v10;
	v10 =	vsub.f32 $0.0e+00, v8  }
0x1b8: {  	s18 =	simm.s32 $0x20;
	s19 =	simm.s32 $0x40;
	v9 =	vsub.f32 v19, v17;
	v8 =	vsub.f32 v16, v17;
	v19 =	vmul.f32 v20, v18  }
.LBB2_4:
0x1b9: {  	p0 =	sne.s32 s19, $0x1E0;
	v12 =	vsub.f32 v12, v17;
	v14 =	vsub.f32 v14, v17;
	v7 =	vmul.f32 $9.999999930e-09, v7;
	s26 =	smov.u32 s19;
	s19 =	sadd.s32 $0x20, s19  }
0x1ba: {  	v16 =	vmul.f32 $1.442695020e+00, v9;
	v18 =	vmul.f32 $1.442695020e+00, v8;
	v15 =	vadd.f32 v19, v15  }
0x1bb: {  	v13 =	vsub.f32 v13, v17;
	v19 =	vmul.f32 $1.442695020e+00, v12;
	v20 =	vmul.f32 $1.442695020e+00, v14  }
0x1bc: {  	v11 =	vsub.f32 v11, v17;
	(erf) = vpow2.f32 v16;
	v15 =	vmul.f32 $1.000000120e+00, v15  }
0x1bd: {  	v17 =	vadd.f32 v8, v9;
	v16 =	vmul.f32 $1.442695020e+00, v13;
	(erf) = vpow2.f32 v18  }
0x1be: {  	v18 =	vmul.f32 $1.442695020e+00, v11;
	v10 =	vadd.f32 v15, v10  }
0x1bf: {  	v15 =	vadd.f32 v17, v12;
	(erf) = vpow2.f32 v19  }
0x1c0: {  	v5 =	vadd.f32 v6, v5;
	v6 =	vsub.f32 v10, v7  }
0x1c1: {  	v7 =	vadd.f32 v15, v14;
	(erf) = vpow2.f32 v20  }
0x1c2: {  	v5 =	vadd.f32 v6, v5  }
0x1c3: {  	v6 =	vadd.f32 v7, v13;
	(erf) = vpow2.f32 v16;
	_ =	sdelay $0x1  }
0x1c4: {  	v6 =	vadd.f32 v6, v11;
	v7 =	vpop (erf);
	(erf) = vpow2.f32 v18  }
0x1c5: {  	v10 =	vpop (erf)  }
0x1c6: {  	v15 =	vadd.f32 v10, v7  }
0x1c7: {  	v16 =	vpop (erf)  }
0x1c8: {  	v15 =	vadd.f32 v15, v16  }
0x1c9: {  	v17 =	vpop (erf)  }
0x1ca: {  	v15 =	vadd.f32 v15, v17  }
0x1cb: {  	v18 =	vpop (erf)  }
0x1cc: {  	v15 =	vadd.f32 v15, v18  }
0x1cd: {  	v19 =	vpop (erf)  }
0x1ce: {  	v15 =	vadd.f32 v15, v19;
	_ =	sdelay $0x1  }
0x1cf: {  	v20 =	vshra.s32 v15, $0x17;
	v21 =	vand.u32 $0x7FFFFF, v15;
	(erf) = vrcp.f32 v15  }
0x1d0: {  	v15 =	vadd.s32 $0xFFFFFF81, v20;
	v20 =	vor.u32 $0x3F800000, v21  }
0x1d1: {  	v21 =	vadd.f32 $1.000000000e+00, v20;
	_ =	sdelay $0x1  }
0x1d2: {  	(erf) = vrcp.f32 v21;
	_ =	sdelay $0x2  }
0x1d3: {  	v21 =	vmov s18;
	_ =	sdelay $0x1  }
0x1d4: {  	v21 =	vshll.u32 v21, $0x7;
	v22 =	vpop (erf)  }
0x1d5: {  	v7 =	vmul.f32 v22, v7;
	v23 =	vmul.f32 v22, v10  }
0x1d6: {  	v20 =	vadd.f32 $-1.000000000e+00, v20;
	v18 =	vmul.f32 v22, v18;
	v19 =	vmul.f32 v22, v19  }
0x1d7: {  	v21 =	vor.u32 v2, v21;
	v16 =	vmul.f32 v22, v16;
	vm0 =	vgt.f32 v23, v7  }
0x1d8: {  	v9 =	vmul.f32 v7, v9;
	v8 =	vmul.f32 v23, v8;
	v7 =	vsel vm0, v23, v7;
	v10 =	vpop (erf)  }
0x1d9: {  	v17 =	vmul.f32 v22, v17;
	v10 =	vmul.f32 v10, v20;
	vm1 =	vgt.f32 v16, v7  }
0x1da: {  	v8 =	vadd.f32 v8, v9;
	v9 =	vmul.f32 v16, v12;
	v7 =	vsel vm1, v16, v7  }
0x1db: {  	s28 =	sadd.s32 $0x10, s18;
	s18 =	smov.u32 s26;
	v16 =	vor.u32 $0x1, v21;
	v12 =	vmul.f32 v10, v10;
	vm2 =	vgt.f32 v17, v7  }
0x1dc: {  	s26 =	sand.u32 $0x70, s28;
	v14 =	vmul.f32 v17, v14;
	v20 =	vsel vm0, $0x1, v1;
	v7 =	vsel vm2, v17, v7  }
0x1dd: {  	s23 =	sor.u32 s26, s23;
	v8 =	vadd.f32 v8, v9;
	v9 =	vsel vm1, $0x2, v20;
	vm0 =	vgt.f32 v18, v7  }
0x1de: {  	s20 =	sor.u32 s26, s20;
	v9 =	vsel vm2, $0x3, v9;
	v17 =	vmul.f32 v12, v0;
	v7 =	vsel vm0, v18, v7  }
0x1df: {  	s21 =	sor.u32 s26, s21;
	v13 =	vmul.f32 v18, v13;
	v9 =	vsel vm0, $0x4, v9;
	vm0 =	vgt.f32 v19, v7  }
0x1e0: {  	s22 =	sor.u32 s26, s22;
	v8 =	vadd.f32 v8, v14;
	v7 =	vadd.f32 $1.428571490e-01, v17;
	v9 =	vsel vm0, $0x5, v9  }
0x1e1: {  	s25 =	sor.u32 s26, s25;
	v11 =	vmul.f32 v19, v11;
	[tilespmem:v16+s10+$0x0] =	vst.idx.msk $0xffff, v9;
	v9 =	vmov s28  }
0x1e2: {  	v8 =	vadd.f32 v8, v13;
	v7 =	vmul.f32 v7, v12;
	v13 =	vld [tilespmem:s23+$0x0];
	s23 =	sor.u32 s26, s24;
	v9 =	vshll.u32 v9, $0x7  }
0x1e3: {  	v14 =	vld [tilespmem:s20+$0x0];
	v9 =	vor.u32 v2, v9  }
0x1e4: {  	v11 =	vadd.f32 v8, v11;
	v7 =	vadd.f32 $2.000000030e-01, v7;
	v8 =	vld [tilespmem:s21+$0x0]  }
0x1e5: {  	v16 =	vld [tilespmem:s22+$0x0]  }
0x1e6: {  	v7 =	vmul.f32 v7, v12;
	v17 =	vld [tilespmem:s25+$0x0]  }
0x1e7: {  	v18 =	vld [tilespmem:s23+$0x0]  }
0x1e8: {  	v7 =	vadd.f32 $3.333333430e-01, v7;
	v19 =	vmax.f32 v13, v14  }
0x1e9: {  	v19 =	vmax.f32 v19, v8  }
0x1ea: {  	v7 =	vmul.f32 v7, v12;
	v12 =	vmax.f32 v19, v16  }
0x1eb: {  	v15 =	vcvt.s32.f32 v15;
	v12 =	vmax.f32 v12, v17  }
0x1ec: {  	v10 =	vadd.f32 v10, v10;
	v7 =	vadd.f32 $1.000000000e+00, v7;
	v12 =	vmax.f32 v12, v18  }
0x1ed: {  	v15 =	vmul.f32 $6.931471820e-01, v15;
	v13 =	vsub.f32 v13, v12;
	v14 =	vsub.f32 v14, v12  }
0x1ee: {  	v7 =	vmul.f32 v7, v10;
	v10 =	vsub.f32 v8, v12;
	v16 =	vsub.f32 v16, v12  }
0x1ef: {  	v8 =	vsub.f32 v17, v12;
	v17 =	vmul.f32 $1.442695020e+00, v13;
	v19 =	vmul.f32 $1.442695020e+00, v14  }
0x1f0: {  	v12 =	vsub.f32 v18, v12;
	v18 =	vmul.f32 $1.442695020e+00, v10;
	v20 =	vmul.f32 $1.442695020e+00, v16  }
0x1f1: {  	v21 =	vmul.f32 $1.442695020e+00, v8;
	v22 =	vadd.f32 v14, v13;
	(erf) = vpow2.f32 v17  }
0x1f2: {  	v7 =	vadd.f32 v7, v15;
	v15 =	vmul.f32 $1.442695020e+00, v12;
	(erf) = vpow2.f32 v19  }
0x1f3: {  	v17 =	vadd.f32 v22, v10;
	(erf) = vpow2.f32 v18  }
0x1f4: {  	v11 =	vsub.f32 $0.0e+00, v11;
	v7 =	vmul.f32 $1.000000120e+00, v7  }
0x1f5: {  	v17 =	vadd.f32 v17, v16;
	(erf) = vpow2.f32 v20  }
0x1f6: {  	v6 =	vmul.f32 $9.999999930e-09, v6;
	v7 =	vadd.f32 v7, v11  }
0x1f7: {  	v17 =	vadd.f32 v17, v8;
	(erf) = vpow2.f32 v21  }
0x1f8: {  	v6 =	vsub.f32 v7, v6  }
0x1f9: {  	v7 =	vadd.f32 v17, v12;
	(erf) = vpow2.f32 v15  }
0x1fa: {  	v11 =	vpop (erf)  }
0x1fb: {  	v15 =	vpop (erf)  }
0x1fc: {  	v17 =	vadd.f32 v15, v11;
	v18 =	vpop (erf);
	_ =	sdelay $0x1  }
0x1fd: {  	v17 =	vadd.f32 v17, v18;
	v19 =	vpop (erf);
	_ =	sdelay $0x1  }
0x1fe: {  	v17 =	vadd.f32 v17, v19;
	v20 =	vpop (erf);
	_ =	sdelay $0x1  }
0x1ff: {  	v17 =	vadd.f32 v17, v20;
	v21 =	vpop (erf);
	_ =	sdelay $0x1  }
0x200: {  	v17 =	vadd.f32 v17, v21;
	_ =	sdelay $0x1  }
0x201: {  	v22 =	vshra.s32 v17, $0x17;
	v23 =	vand.u32 $0x7FFFFF, v17;
	(erf) = vrcp.f32 v17  }
0x202: {  	v17 =	vadd.s32 $0xFFFFFF81, v22;
	v22 =	vor.u32 $0x3F800000, v23  }
0x203: {  	v23 =	vadd.f32 $1.000000000e+00, v22;
	v24 =	vcvt.s32.f32 v17;
	_ =	sdelay $0x1  }
0x204: {  	(erf) = vrcp.f32 v23;
	_ =	sdelay $0x4  }
0x205: {  	v17 =	vpop (erf)  }
0x206: {  	v11 =	vmul.f32 v17, v11;
	v23 =	vmul.f32 v17, v15  }
0x207: {  	v9 =	vor.u32 $0x1, v9;
	v22 =	vadd.f32 $-1.000000000e+00, v22;
	v18 =	vmul.f32 v17, v18  }
0x208: {  	v13 =	vmul.f32 v11, v13;
	v14 =	vmul.f32 v23, v14;
	vm0 =	vgt.f32 v23, v11  }
0x209: {  	v19 =	vmul.f32 v17, v19;
	v10 =	vmul.f32 v18, v10;
	v11 =	vsel vm0, v23, v11;
	v15 =	vpop (erf)  }
0x20a: {  	s17 =	sadd.s32 $0x100, s17;
	v15 =	vmul.f32 v15, v22;
	v13 =	vadd.f32 v14, v13;
	vm1 =	vgt.f32 v18, v11  }
0x20b: {  	s26 =	sand.u32 $0x60, s18;
	s24 =	sand.u32 $0xC00, s17;
	v16 =	vmul.f32 v19, v16;
	v14 =	vmul.f32 v17, v20;
	v11 =	vsel vm1, v18, v11  }
0x20c: {  	s20 =	sor.u32 $0x1080, s24;
	s21 =	sor.u32 $0x1100, s24;
	s23 =	sor.u32 $0x1000, s24;
	v20 =	vsel vm0, $0x1, v1;
	v18 =	vmul.f32 v15, v15;
	vm0 =	vgt.f32 v19, v11  }
0x20d: {  	s29 =	sor.u32 s26, s20;
	s22 =	sor.u32 $0x1180, s24;
	s28 =	sor.u32 s26, s23;
	v17 =	vmul.f32 v17, v21;
	v20 =	vsel vm1, $0x2, v20;
	v11 =	vsel vm0, v19, v11  }
0x20e: {  	s25 =	sor.u32 $0x1200, s24;
	s24 =	sor.u32 $0x1280, s24;
	v20 =	vsel vm0, $0x3, v20;
	v19 =	vmul.f32 v18, v0;
	vm0 =	vgt.f32 v14, v11  }
0x20f: {  	v10 =	vadd.f32 v13, v10;
	v11 =	vsel vm0, v14, v11;
	v13 =	vsel vm0, $0x4, v20  }
0x210: {  	s30 =	sor.u32 s26, s21;
	v20 =	vmul.f32 v17, v12;
	v19 =	vadd.f32 $1.428571490e-01, v19;
	vm0 =	vgt.f32 v17, v11  }
0x211: {  	s31 =	sor.u32 s26, s22;
	v8 =	vmul.f32 v14, v8;
	v10 =	vadd.f32 v10, v16;
	v11 =	vsel vm0, $0x5, v13  }
0x212: {  	s0 =	sor.u32 s26, s25;
	v12 =	vmul.f32 v19, v18;
	[tilespmem:v9+s10+$0x0] =	vst.idx.msk $0xffff, v11  }
0x213: {  	s26 =	sor.u32 s26, s24;
	v8 =	vadd.f32 v10, v8;
	v16 =	vld [tilespmem:s29+$0x0]  }
0x214: {  	v9 =	vld [tilespmem:s28+$0x0];
	v10 =	vadd.f32 $2.000000030e-01, v12  }
0x215: {  	v8 =	vadd.f32 v8, v20;
	v12 =	vld [tilespmem:s30+$0x0]  }
0x216: {  	v14 =	vld [tilespmem:s31+$0x0];
	v10 =	vmul.f32 v10, v18  }
0x217: {  	v13 =	vld [tilespmem:s0+$0x0]  }
0x218: {  	v11 =	vld [tilespmem:s26+$0x0];
	v10 =	vadd.f32 $3.333333430e-01, v10  }
0x219: {  	v17 =	vmax.f32 v9, v16  }
.Ltmp1:
0x21a: {  	v17 =	vmax.f32 v17, v12;
	v10 =	vmul.f32 v10, v18;
	(pc) =	sbr.rel @p0 .LBB2_4-.Ltmp1, $4  }
0x21b: {  	v18 =	vadd.f32 v15, v15;
	v17 =	vmax.f32 v17, v14  }
0x21c: {  	v15 =	vmax.f32 v17, v13;
	v19 =	vadd.f32 $1.000000000e+00, v10  }
0x21d: {  	v10 =	vsub.f32 $0.0e+00, v8;
	v17 =	vmax.f32 v15, v11;
	v15 =	vmul.f32 $6.931471820e-01, v24  }
0x21e: {  	v9 =	vsub.f32 v9, v17;
	v8 =	vsub.f32 v16, v17;
	v19 =	vmul.f32 v19, v18  }
0x21f: {  	_ = 	snop  }
0x220: {  	v16 =	vmul.f32 $1.442695020e+00, v9  }
0x221: {  	v18 =	vsub.f32 v12, v17;
	v12 =	vmul.f32 $1.442695020e+00, v8  }
0x222: {  	(erf) = vpow2.f32 v16  }
0x223: {  	v20 =	vmul.f32 $1.442695020e+00, v18;
	v16 =	vsub.f32 v14, v17;
	(erf) = vpow2.f32 v12;
	_ =	sdelay $0x1  }
0x224: {  	v14 =	vsub.f32 v13, v17;
	v12 =	vmul.f32 $1.442695020e+00, v16;
	(erf) = vpow2.f32 v20  }
0x225: {  	v13 =	vsub.f32 v11, v17  }
0x226: {  	v11 =	vmul.f32 $1.442695020e+00, v14;
	(erf) = vpow2.f32 v12  }
0x227: {  	v12 =	vmul.f32 $1.442695020e+00, v13  }
0x228: {  	(erf) = vpow2.f32 v11;
	_ =	sdelay $0x1  }
0x229: {  	(erf) = vpow2.f32 v12;
	v11 =	vpop (erf)  }
0x22a: {  	v12 =	vpop (erf)  }
0x22b: {  	v17 =	vadd.f32 v12, v11  }
0x22c: {  	v21 =	vpop (erf)  }
0x22d: {  	v17 =	vadd.f32 v17, v21  }
0x22e: {  	v22 =	vpop (erf)  }
0x22f: {  	v17 =	vadd.f32 v17, v22  }
0x230: {  	v23 =	vpop (erf)  }
0x231: {  	v17 =	vadd.f32 v17, v23  }
0x232: {  	v24 =	vpop (erf)  }
0x233: {  	v20 =	vadd.f32 v17, v24;
	_ =	sdelay $0x1  }
0x234: {  	(erf) = vrcp.f32 v20;
	_ =	sdelay $0x8  }
0x235: {  	v17 =	vpop (erf)  }
0x236: {  	v40 =	vmul.f32 v17, v11;
	v38 =	vmul.f32 v17, v12;
	_ =	sdelay $0x1  }
0x237: {  	v33 =	vmul.f32 v17, v21;
	vm0 =	vgt.f32 v38, v40  }
0x238: {  	v11 =	vsel vm0, v38, v40  }
0x239: {  	v12 =	vmov s18;
	v29 =	vmul.f32 v17, v22;
	vm1 =	vgt.f32 v33, v11  }
0x23a: {  	v12 =	vshll.u32 v12, $0x7;
	v11 =	vsel vm1, v33, v11  }
0x23b: {  	v25 =	vmul.f32 v17, v23;
	v12 =	vor.u32 v2, v12;
	vm2 =	vgt.f32 v29, v11  }
0x23c: {  	v12 =	vor.u32 $0x1, v12;
	v34 =	vsel vm0, $0x1, v1;
	v11 =	vsel vm2, v29, v11  }
0x23d: {  	v24 =	vmul.f32 v17, v24;
	v17 =	vsel vm1, $0x2, v34;
	vm11 =	vgt.f32 v25, v11  }
0x23e: {  	v17 =	vsel vm2, $0x3, v17;
	v11 =	vsel vm11, v25, v11  }
0x23f: {  	s17 =	sadd.s32 $0x10, s18;
	v17 =	vsel vm11, $0x4, v17;
	vm12 =	vgt.f32 v24, v11  }
0x240: {  	s0 =	sand.u32 $0x70, s17;
	v11 =	vsel vm12, $0x5, v17  }
0x241: {  	s28 =	sor.u32 s0, s23;
	[tilespmem:v12+s10+$0x0] =	vst.idx.msk $0xffff, v11  }
0x242: {  	s19 =	sor.u32 s0, s20;
	v11 =	vld [tilespmem:s28+$0x0]  }
0x243: {  	s29 =	sor.u32 s0, s21;
	v12 =	vld [tilespmem:s19+$0x0]  }
0x244: {  	s30 =	sor.u32 s0, s22;
	v17 =	vld [tilespmem:s29+$0x0]  }
0x245: {  	s31 =	sor.u32 s0, s25;
	v26 =	vld [tilespmem:s30+$0x0]  }
0x246: {  	s0 =	sor.u32 s0, s24;
	v27 =	vld [tilespmem:s31+$0x0]  }
0x247: {  	v28 =	vld [tilespmem:s0+$0x0]  }
0x248: {  	v35 =	vmax.f32 v11, v12  }
0x249: {  	v21 =	vmax.f32 v35, v17  }
0x24a: {  	v21 =	vmax.f32 v21, v26  }
0x24b: {  	v21 =	vmax.f32 v21, v27  }
0x24c: {  	v36 =	vand.u32 $0x7FFFFF, v20;
	v30 =	vmax.f32 v21, v28  }
0x24d: {  	v44 =	vor.u32 $0x3F800000, v36;
	v23 =	vsub.f32 v11, v30  }
0x24e: {  	v11 =	vadd.f32 $1.000000000e+00, v44;
	v22 =	vsub.f32 v12, v30  }
0x24f: {  	v12 =	vmul.f32 $1.442695020e+00, v23  }
0x250: {  	v21 =	vsub.f32 v17, v30;
	(erf) = vrcp.f32 v11;
	v11 =	vmul.f32 $1.442695020e+00, v22  }
0x251: {  	(erf) = vpow2.f32 v12  }
0x252: {  	v17 =	vsub.f32 v26, v30;
	v37 =	vmul.f32 $1.442695020e+00, v21;
	(erf) = vpow2.f32 v11;
	_ =	sdelay $0x1  }
0x253: {  	v39 =	vmul.f32 $1.442695020e+00, v17;
	v12 =	vsub.f32 v27, v30;
	(erf) = vpow2.f32 v37;
	_ =	sdelay $0x1  }
0x254: {  	v11 =	vsub.f32 v28, v30;
	v41 =	vmul.f32 $1.442695020e+00, v12;
	(erf) = vpow2.f32 v39;
	_ =	sdelay $0x1  }
0x255: {  	v42 =	vmul.f32 $1.442695020e+00, v11;
	(erf) = vpow2.f32 v41  }
0x256: {  	v45 =	vpop (erf)  }
0x257: {  	(erf) = vpow2.f32 v42;
	v43 =	vpop (erf)  }
0x258: {  	v46 =	vpop (erf)  }
0x259: {  	v47 =	vadd.f32 v46, v43  }
0x25a: {  	v48 =	vpop (erf)  }
0x25b: {  	v28 =	vadd.f32 v47, v48  }
0x25c: {  	v32 =	vpop (erf)  }
0x25d: {  	v28 =	vadd.f32 v28, v32  }
0x25e: {  	v34 =	vpop (erf)  }
0x25f: {  	v28 =	vadd.f32 v28, v34  }
0x260: {  	v35 =	vpop (erf)  }
0x261: {  	v31 =	vadd.f32 v28, v35;
	_ =	sdelay $0x1  }
0x262: {  	(erf) = vrcp.f32 v31;
	_ =	sdelay $0x8  }
0x263: {  	v49 =	vpop (erf)  }
0x264: {  	v43 =	vmul.f32 v49, v43;
	v42 =	vmul.f32 v49, v46;
	_ =	sdelay $0x1  }
0x265: {  	v39 =	vmul.f32 v49, v48;
	vm13 =	vgt.f32 v42, v43  }
0x266: {  	v26 =	vsel vm13, v42, v43  }
0x267: {  	v50 =	vmov s17;
	v37 =	vmul.f32 v49, v32;
	vm14 =	vgt.f32 v39, v26  }
0x268: {  	v27 =	vshll.u32 v50, $0x7;
	v26 =	vsel vm14, v39, v26  }
0x269: {  	v27 =	vor.u32 v2, v27;
	v32 =	vmul.f32 v49, v34;
	vm15 =	vgt.f32 v37, v26  }
0x26a: {  	v51 =	vor.u32 $0x1, v27;
	v52 =	vsel vm13, $0x1, v1;
	v26 =	vsel vm15, v37, v26  }
0x26b: {  	v27 =	vmul.f32 v49, v35;
	v53 =	vsel vm14, $0x2, v52;
	vm4 =	vgt.f32 v32, v26  }
0x26c: {  	v28 =	vsel vm15, $0x3, v53;
	v26 =	vsel vm4, v32, v26  }
0x26d: {  	v28 =	vsel vm4, $0x4, v28;
	vm5 =	vgt.f32 v27, v26  }
0x26e: {  	s19 =	sor.u32 $0x2080, s16;
	v26 =	vsel vm5, $0x5, v28  }
0x26f: {  	s20 =	sor.u32 $0x2000, s16;
	s17 =	sor.u32 s15, s19;
	[tilespmem:v51+s10+$0x0] =	vst.idx.msk $0xffff, v26  }
0x270: {  	s23 =	sor.u32 s15, s20;
	s18 =	sor.u32 $0x2100, s16;
	v26 =	vld [tilespmem:s17+$0x0]  }
0x271: {  	s24 =	sor.u32 $0x2180, s16;
	s25 =	sor.u32 s15, s18;
	v54 =	vld [tilespmem:s23+$0x0]  }
0x272: {  	s26 =	sor.u32 $0x2200, s16;
	s28 =	sor.u32 s15, s24;
	v30 =	vld [tilespmem:s25+$0x0]  }
0x273: {  	s29 =	sor.u32 $0x2280, s16;
	s30 =	sor.u32 s15, s26;
	v41 =	vld [tilespmem:s28+$0x0]  }
0x274: {  	s31 =	sor.u32 s15, s29;
	v46 =	vld [tilespmem:s30+$0x0]  }
0x275: {  	v47 =	vld [tilespmem:s31+$0x0]  }
0x276: {  	v55 =	vmax.f32 v54, v26  }
0x277: {  	v34 =	vmax.f32 v55, v30  }
0x278: {  	v34 =	vmax.f32 v34, v41  }
0x279: {  	v34 =	vmax.f32 v34, v46  }
0x27a: {  	v56 =	vand.u32 $0x7FFFFF, v31;
	v48 =	vmax.f32 v34, v47  }
0x27b: {  	v50 =	vor.u32 $0x3F800000, v56;
	v34 =	vsub.f32 v54, v48  }
0x27c: {  	v57 =	vadd.f32 $1.000000000e+00, v50;
	v35 =	vsub.f32 v26, v48  }
0x27d: {  	v58 =	vmul.f32 $1.442695020e+00, v34  }
0x27e: {  	(erf) = vrcp.f32 v57;
	v36 =	vsub.f32 v30, v48;
	v59 =	vmul.f32 $1.442695020e+00, v35  }
0x27f: {  	(erf) = vpow2.f32 v58  }
0x280: {  	v30 =	vsub.f32 v41, v48;
	v60 =	vmul.f32 $1.442695020e+00, v36;
	(erf) = vpow2.f32 v59;
	_ =	sdelay $0x1  }
0x281: {  	v28 =	vsub.f32 v46, v48;
	v41 =	vmul.f32 $1.442695020e+00, v30;
	(erf) = vpow2.f32 v60;
	_ =	sdelay $0x1  }
0x282: {  	v26 =	vsub.f32 v47, v48;
	v46 =	vmul.f32 $1.442695020e+00, v28;
	(erf) = vpow2.f32 v41;
	_ =	sdelay $0x1  }
0x283: {  	v61 =	vmul.f32 $1.442695020e+00, v26;
	(erf) = vpow2.f32 v46  }
0x284: {  	v51 =	vpop (erf)  }
0x285: {  	v62 =	vpop (erf);
	(erf) = vpow2.f32 v61  }
0x286: {  	v63 =	vpop (erf)  }
0x287: {  	v56 =	vadd.f32 v63, v62  }
0x288: {  	v52 =	vpop (erf)  }
0x289: {  	v41 =	vadd.f32 v56, v52  }
0x28a: {  	v53 =	vpop (erf)  }
0x28b: {  	v41 =	vadd.f32 v41, v53  }
0x28c: {  	v54 =	vpop (erf)  }
0x28d: {  	v41 =	vadd.f32 v41, v54  }
0x28e: {  	v55 =	vpop (erf)  }
0x28f: {  	v41 =	vadd.f32 v41, v55;
	_ =	sdelay $0x1  }
0x290: {  	(erf) = vrcp.f32 v41;
	_ =	sdelay $0x8  }
0x291: {  	v56 =	vpop (erf)  }
0x292: {  	v48 =	vmul.f32 v56, v62;
	v49 =	vmul.f32 v56, v63;
	_ =	sdelay $0x1  }
0x293: {  	v47 =	vmul.f32 v56, v52;
	vm6 =	vgt.f32 v49, v48  }
0x294: {  	v44 =	vadd.f32 $-1.000000000e+00, v44;
	v57 =	vsel vm6, v49, v48  }
0x295: {  	v15 =	vadd.f32 v19, v15;
	v46 =	vmul.f32 v56, v53;
	vm7 =	vgt.f32 v47, v57  }
0x296: {  	v4 =	vor.u32 $0x2, v4;
	v58 =	vmul.f32 v45, v44;
	v52 =	vsel vm7, v47, v57  }
0x297: {  	v15 =	vmul.f32 $1.000000120e+00, v15;
	v45 =	vmul.f32 v56, v54;
	vm8 =	vgt.f32 v46, v52  }
0x298: {  	v59 =	vmul.f32 v58, v58;
	v60 =	vsel vm6, $0x1, v1;
	v52 =	vsel vm8, v46, v52  }
0x299: {  	v44 =	vmul.f32 v56, v55;
	v55 =	vsel vm7, $0x2, v60;
	vm9 =	vgt.f32 v45, v52  }
0x29a: {  	v61 =	vmul.f32 v59, v0;
	v19 =	vsel vm8, $0x3, v55;
	v52 =	vsel vm9, v45, v52  }
0x29b: {  	v40 =	vmul.f32 v40, v9;
	v19 =	vsel vm9, $0x4, v19;
	vm10 =	vgt.f32 v44, v52  }
0x29c: {  	v9 =	vadd.f32 v8, v9;
	v52 =	vadd.f32 $1.428571490e-01, v61;
	v19 =	vsel vm10, $0x5, v19  }
0x29d: {  	v7 =	vmul.f32 $9.999999930e-09, v7;
	v8 =	vmul.f32 v38, v8;
	[tilespmem:v4+s10+$0x0] =	vst.idx.msk $0xffff, v19;
	v4 =	vadd.f32 v15, v10  }
0x29e: {  	v5 =	vadd.f32 v6, v5;
	v6 =	vadd.f32 v9, v18;
	s15 =	sor.u32 s14, s20;
	v9 =	vmul.f32 v52, v59  }
0x29f: {  	s19 =	sor.u32 s14, s19;
	v10 =	vld [tilespmem:s15+$0x0];
	v4 =	vsub.f32 v4, v7;
	v7 =	vadd.f32 v8, v40;
	v8 =	vmul.f32 v33, v18  }
0x2a0: {  	v6 =	vadd.f32 v6, v16;
	s20 =	sor.u32 s14, s18;
	v15 =	vld [tilespmem:s19+$0x0]  }
0x2a1: {  	v9 =	vadd.f32 $2.000000030e-01, v9;
	v18 =	vld [tilespmem:s20+$0x0];
	v7 =	vadd.f32 v7, v8  }
0x2a2: {  	s21 =	sor.u32 s14, s24;
	v16 =	vmul.f32 v29, v16;
	v19 =	vadd.f32 v4, v5;
	v4 =	vadd.f32 v6, v14  }
0x2a3: {  	s22 =	sor.u32 s14, s26;
	v63 =	vadd.f32 v58, v58;
	v5 =	vmul.f32 v9, v59;
	v6 =	vld [tilespmem:s21+$0x0];
	v8 =	vshra.s32 v20, $0x17  }
0x2a4: {  	s23 =	sor.u32 s14, s29;
	v9 =	vmul.f32 v25, v14;
	v14 =	vld [tilespmem:s22+$0x0];
	v7 =	vadd.f32 v7, v16;
	v16 =	vadd.f32 v4, v13  }
0x2a5: {  	v62 =	vld [tilespmem:s23+$0x0];
	v4 =	vadd.s32 $0xFFFFFF81, v8;
	v5 =	vadd.f32 $3.333333430e-01, v5;
	v8 =	vmax.f32 v10, v15  }
0x2a6: {  	v58 =	vmul.f32 v37, v17;
	v8 =	vmax.f32 v8, v18;
	v4 =	vcvt.s32.f32 v4  }
0x2a7: {  	v7 =	vadd.f32 v7, v9;
	v5 =	vmul.f32 v5, v59;
	v9 =	vadd.f32 $-1.000000000e+00, v50  }
0x2a8: {  	v13 =	vmul.f32 v24, v13;
	v8 =	vmax.f32 v8, v6;
	v4 =	vmul.f32 $6.931471820e-01, v4  }
0x2a9: {  	v5 =	vadd.f32 $1.000000000e+00, v5;
	v40 =	vmul.f32 v51, v9;
	v8 =	vmax.f32 v8, v14  }
0x2aa: {  	v9 =	vand.u32 $0x7FFFFF, v41;
	v13 =	vadd.f32 v7, v13;
	v50 =	vmax.f32 v8, v62  }
0x2ab: {  	v52 =	vor.u32 $0x3F800000, v9;
	v51 =	vmul.f32 v40, v40;
	v9 =	vsub.f32 v10, v50  }
0x2ac: {  	v5 =	vmul.f32 v5, v63;
	v10 =	vadd.f32 $1.000000000e+00, v52;
	v8 =	vsub.f32 v15, v50  }
0x2ad: {  	v7 =	vsub.f32 v18, v50;
	v15 =	vmul.f32 v51, v0;
	v53 =	vmul.f32 $1.442695020e+00, v9  }
0x2ae: {  	(erf) = vrcp.f32 v10;
	v10 =	vmul.f32 $1.442695020e+00, v8;
	v18 =	vadd.f32 v5, v4  }
0x2af: {  	v4 =	vsub.f32 v6, v50;
	(erf) = vpow2.f32 v53;
	v5 =	vadd.f32 $1.428571490e-01, v15  }
0x2b0: {  	v6 =	vmul.f32 $1.442695020e+00, v7;
	(erf) = vpow2.f32 v10  }
0x2b1: {  	v54 =	vmul.f32 v5, v51;
	v5 =	vsub.f32 v14, v50;
	v14 =	vmul.f32 $1.442695020e+00, v4  }
0x2b2: {  	v60 =	vmul.f32 v32, v12;
	(erf) = vpow2.f32 v6  }
0x2b3: {  	v6 =	vsub.f32 v62, v50;
	(erf) = vpow2.f32 v14;
	v14 =	vmul.f32 $1.442695020e+00, v5  }
0x2b4: {  	v33 =	vmul.f32 v27, v11;
	v15 =	vadd.f32 v22, v23;
	v22 =	vmul.f32 v42, v22  }
0x2b5: {  	v55 =	vadd.f32 $2.000000030e-01, v54;
	(erf) = vpow2.f32 v14;
	v14 =	vmul.f32 $1.442695020e+00, v6  }
0x2b6: {  	v56 =	vshra.s32 v31, $0x17;
	v18 =	vmul.f32 $1.000000120e+00, v18;
	v10 =	vmul.f32 v43, v23  }
0x2b7: {  	v13 =	vsub.f32 $0.0e+00, v13;
	v61 =	vadd.f32 v40, v40;
	v20 =	vmul.f32 v55, v51  }
0x2b8: {  	v15 =	vadd.f32 v15, v21;
	v21 =	vmul.f32 v39, v21;
	v10 =	vadd.f32 v22, v10;
	v57 =	vpop (erf)  }
0x2b9: {  	v13 =	vadd.f32 v18, v13;
	v20 =	vadd.f32 $3.333333430e-01, v20;
	(erf) = vpow2.f32 v14;
	v14 =	vpop (erf)  }
0x2ba: {  	v16 =	vmul.f32 $9.999999930e-09, v16;
	v62 =	vadd.f32 $-1.000000000e+00, v52;
	v10 =	vadd.f32 v10, v21;
	v18 =	vpop (erf)  }
0x2bb: {  	v15 =	vadd.f32 v15, v17;
	v20 =	vmul.f32 v20, v51;
	v59 =	vadd.f32 v18, v14  }
0x2bc: {  	v17 =	vadd.s32 $0xFFFFFF81, v56;
	v10 =	vadd.f32 v10, v58;
	v21 =	vmul.f32 v57, v62;
	v63 =	vpop (erf)  }
0x2bd: {  	v17 =	vcvt.s32.f32 v17;
	v20 =	vadd.f32 $1.000000000e+00, v20;
	v22 =	vadd.f32 v59, v63  }
0x2be: {  	v13 =	vsub.f32 v13, v16;
	v10 =	vadd.f32 v10, v60;
	v38 =	vmul.f32 v21, v21;
	v37 =	vpop (erf)  }
0x2bf: {  	v17 =	vmul.f32 $6.931471820e-01, v17;
	v20 =	vmul.f32 v20, v61;
	v22 =	vadd.f32 v22, v37  }
0x2c0: {  	v12 =	vadd.f32 v15, v12;
	v10 =	vadd.f32 v10, v33;
	v15 =	vmul.f32 v38, v0;
	v39 =	vpop (erf)  }
0x2c1: {  	v17 =	vadd.f32 v20, v17;
	v40 =	vadd.f32 v22, v39  }
0x2c2: {  	v42 =	vmul.f32 v48, v34;
	v11 =	vadd.f32 v12, v11;
	v12 =	vadd.f32 $1.428571490e-01, v15;
	v16 =	vpop (erf)  }
0x2c3: {  	v10 =	vsub.f32 $0.0e+00, v10;
	v17 =	vmul.f32 $1.000000120e+00, v17;
	v20 =	vadd.f32 v40, v16  }
0x2c4: {  	v43 =	vmul.f32 v49, v35;
	v12 =	vmul.f32 v12, v38  }
0x2c5: {  	v10 =	vadd.f32 v17, v10;
	v17 =	vand.u32 $0x7FFFFF, v20;
	(erf) = vrcp.f32 v20  }
0x2c6: {  	v15 =	vadd.f32 v35, v34;
	v12 =	vadd.f32 $2.000000030e-01, v12;
	v17 =	vor.u32 $0x3F800000, v17  }
0x2c7: {  	v49 =	vmul.f32 v47, v36;
	v22 =	vadd.f32 v43, v42;
	v48 =	vadd.f32 $1.000000000e+00, v17  }
0x2c8: {  	v13 =	vadd.f32 v13, v19;
	v11 =	vmul.f32 $9.999999930e-09, v11;
	v12 =	vmul.f32 v12, v38  }
0x2c9: {  	v15 =	vadd.f32 v15, v36;
	v19 =	vadd.f32 v22, v49;
	(erf) = vrcp.f32 v48  }
0x2ca: {  	v10 =	vsub.f32 v10, v11;
	v11 =	vmul.f32 v46, v30;
	v12 =	vadd.f32 $3.333333430e-01, v12  }
0x2cb: {  	v50 =	vmul.f32 v45, v28;
	v15 =	vadd.f32 v15, v30  }
0x2cc: {  	v11 =	vadd.f32 v19, v11;
	v19 =	vshra.s32 v41, $0x17;
	v12 =	vmul.f32 v12, v38  }
0x2cd: {  	v51 =	vmul.f32 v44, v26;
	v21 =	vadd.f32 v21, v21;
	v19 =	vadd.s32 $0xFFFFFF81, v19  }
0x2ce: {  	v15 =	vadd.f32 v15, v28;
	v19 =	vcvt.s32.f32 v19;
	v12 =	vadd.f32 $1.000000000e+00, v12;
	v52 =	vpop (erf)  }
0x2cf: {  	v3 =	vor.u32 $0x2, v3;
	v14 =	vmul.f32 v52, v14;
	v18 =	vmul.f32 v52, v18  }
0x2d0: {  	v15 =	vadd.f32 v15, v26;
	v19 =	vmul.f32 $6.931471820e-01, v19;
	v12 =	vmul.f32 v12, v21  }
0x2d1: {  	v17 =	vadd.f32 $-1.000000000e+00, v17;
	v53 =	vmul.f32 v52, v63;
	vm11 =	vgt.f32 v18, v14  }
0x2d2: {  	v11 =	vadd.f32 v11, v50;
	v12 =	vadd.f32 v12, v19;
	v54 =	vpop (erf);
	v55 =	vsel vm11, v18, v14  }
0x2d3: {  	v19 =	vmul.f32 v52, v37;
	v17 =	vmul.f32 v54, v17;
	vm12 =	vgt.f32 v53, v55  }
0x2d4: {  	v11 =	vadd.f32 v11, v51;
	v56 =	vmul.f32 v52, v39;
	v23 =	vsel vm12, v53, v55  }
0x2d5: {  	v16 =	vmul.f32 v52, v16;
	v57 =	vmul.f32 v17, v17;
	vm13 =	vgt.f32 v19, v23  }
0x2d6: {  	v58 =	vsel vm11, $0x1, v1;
	v14 =	vmul.f32 v14, v9;
	v23 =	vsel vm13, v19, v23  }
0x2d7: {  	v25 =	vsel vm12, $0x2, v58;
	v59 =	vmul.f32 v57, v0;
	vm14 =	vgt.f32 v56, v23  }
0x2d8: {  	s14 =	simm.s32 $0x100;
	v9 =	vadd.f32 v8, v9;
	v25 =	vsel vm13, $0x3, v25;
	v23 =	vsel vm14, v56, v23  }
0x2d9: {  	s24 =	sand.u32 $0xC00, s14;
	v60 =	vsel vm14, $0x4, v25;
	vm15 =	vgt.f32 v16, v23;
	v61 =	vadd.f32 $1.428571490e-01, v59  }
0x2da: {  	s25 =	sand.u32 $0x60, s13;
	s16 =	sor.u32 $0x2080, s24;
	v8 =	vmul.f32 v18, v8;
	v9 =	vadd.f32 v9, v7;
	v18 =	vsel vm15, $0x5, v60  }
0x2db: {  	s26 =	sor.u32 s25, s16;
	s19 =	sor.u32 $0x2000, s24;
	[tilespmem:v3+s10+$0x0] =	vst.idx.msk $0xffff, v18;
	v3 =	vsub.f32 $0.0e+00, v11;
	v11 =	vmul.f32 $1.000000120e+00, v12;
	v12 =	vmul.f32 v61, v57  }
0x2dc: {  	s17 =	sor.u32 $0x2100, s24;
	s28 =	sor.u32 s25, s19;
	v7 =	vmul.f32 v53, v7;
	v8 =	vadd.f32 v8, v14;
	v14 =	vld [tilespmem:s26+$0x0]  }
0x2dd: {  	s18 =	sor.u32 $0x2180, s24;
	s29 =	sor.u32 s25, s17;
	v15 =	vmul.f32 $9.999999930e-09, v15;
	v9 =	vadd.f32 v9, v4;
	v62 =	vld [tilespmem:s28+$0x0];
	v63 =	vadd.f32 $2.000000030e-01, v12  }
0x2de: {  	s30 =	sor.u32 s25, s18;
	s21 =	sor.u32 $0x2200, s24;
	v19 =	vmul.f32 v19, v4;
	v7 =	vadd.f32 v8, v7;
	v18 =	vadd.f32 v11, v3;
	v11 =	vld [tilespmem:s29+$0x0]  }
0x2df: {  	s20 =	sor.u32 $0x2280, s24;
	s31 =	sor.u32 s25, s21;
	v8 =	vadd.f32 v9, v5;
	v3 =	vadd.f32 v10, v13;
	v12 =	vld [tilespmem:s30+$0x0];
	v10 =	vmul.f32 v63, v57  }
0x2e0: {  	s15 =	sor.u32 s25, s20;
	v7 =	vadd.f32 v7, v19;
	v13 =	vmul.f32 v56, v5;
	v4 =	vsub.f32 v18, v15;
	v15 =	vld [tilespmem:s31+$0x0]  }
0x2e1: {  	v9 =	vld [tilespmem:s15+$0x0];
	v5 =	vadd.f32 v8, v6;
	v8 =	vshra.s32 v20, $0x17;
	v10 =	vadd.f32 $3.333333430e-01, v10  }
0x2e2: {  	v6 =	vmul.f32 v16, v6;
	v7 =	vadd.f32 v7, v13;
	v13 =	vmax.f32 v62, v14  }
0x2e3: {  	v8 =	vadd.s32 $0xFFFFFF81, v8;
	v13 =	vmax.f32 v13, v11;
	v10 =	vmul.f32 v10, v57  }
0x2e4: {  	v8 =	vcvt.s32.f32 v8;
	v6 =	vadd.f32 v7, v6;
	v7 =	vmax.f32 v13, v12  }
0x2e5: {  	v13 =	vadd.f32 v17, v17;
	v7 =	vmax.f32 v7, v15;
	v17 =	vadd.f32 $1.000000000e+00, v10  }
0x2e6: {  	v16 =	vmax.f32 v7, v9;
	v10 =	vmul.f32 $6.931471820e-01, v8;
	v8 =	vsub.f32 $0.0e+00, v6  }
0x2e7: {  	s15 =	simm.s32 $0x40;
	v6 =	vsub.f32 v62, v16;
	v7 =	vsub.f32 v14, v16;
	v14 =	vmul.f32 v17, v13  }
.LBB2_6:
0x2e8: {  	p0 =	sne.s32 s15, $0x1E0;
	v11 =	vsub.f32 v11, v16;
	v12 =	vsub.f32 v12, v16;
	v5 =	vmul.f32 $9.999999930e-09, v5;
	s22 =	smov.u32 s15;
	s15 =	sadd.s32 $0x20, s15  }
0x2e9: {  	v13 =	vmul.f32 $1.442695020e+00, v6;
	v17 =	vmul.f32 $1.442695020e+00, v7;
	v10 =	vadd.f32 v14, v10  }
0x2ea: {  	v14 =	vsub.f32 v15, v16;
	v15 =	vmul.f32 $1.442695020e+00, v11;
	v18 =	vmul.f32 $1.442695020e+00, v12  }
0x2eb: {  	v9 =	vsub.f32 v9, v16;
	(erf) = vpow2.f32 v13;
	v10 =	vmul.f32 $1.000000120e+00, v10  }
0x2ec: {  	v16 =	vadd.f32 v7, v6;
	v13 =	vmul.f32 $1.442695020e+00, v14;
	(erf) = vpow2.f32 v17  }
0x2ed: {  	v17 =	vmul.f32 $1.442695020e+00, v9;
	v8 =	vadd.f32 v10, v8  }
0x2ee: {  	v10 =	vadd.f32 v16, v11;
	(erf) = vpow2.f32 v15  }
0x2ef: {  	v3 =	vadd.f32 v4, v3;
	v4 =	vsub.f32 v8, v5  }
0x2f0: {  	v5 =	vadd.f32 v10, v12;
	(erf) = vpow2.f32 v18  }
0x2f1: {  	v3 =	vadd.f32 v4, v3  }
0x2f2: {  	v4 =	vadd.f32 v5, v14;
	(erf) = vpow2.f32 v13;
	_ =	sdelay $0x1  }
0x2f3: {  	v4 =	vadd.f32 v4, v9;
	v5 =	vpop (erf);
	(erf) = vpow2.f32 v17  }
0x2f4: {  	v8 =	vpop (erf)  }
0x2f5: {  	v10 =	vadd.f32 v8, v5  }
0x2f6: {  	v13 =	vpop (erf)  }
0x2f7: {  	v10 =	vadd.f32 v10, v13  }
0x2f8: {  	v15 =	vpop (erf)  }
0x2f9: {  	v10 =	vadd.f32 v10, v15  }
0x2fa: {  	v16 =	vpop (erf)  }
0x2fb: {  	v10 =	vadd.f32 v10, v16  }
0x2fc: {  	v17 =	vpop (erf)  }
0x2fd: {  	v10 =	vadd.f32 v10, v17;
	_ =	sdelay $0x1  }
0x2fe: {  	v18 =	vshra.s32 v10, $0x17;
	v19 =	vand.u32 $0x7FFFFF, v10;
	(erf) = vrcp.f32 v10  }
0x2ff: {  	v10 =	vadd.s32 $0xFFFFFF81, v18;
	v18 =	vor.u32 $0x3F800000, v19  }
0x300: {  	v19 =	vadd.f32 $1.000000000e+00, v18;
	_ =	sdelay $0x1  }
0x301: {  	(erf) = vrcp.f32 v19;
	_ =	sdelay $0x2  }
0x302: {  	v19 =	vmov s13;
	_ =	sdelay $0x1  }
0x303: {  	v19 =	vshll.u32 v19, $0x7;
	v20 =	vpop (erf)  }
0x304: {  	v5 =	vmul.f32 v20, v5;
	v21 =	vmul.f32 v20, v8  }
0x305: {  	v18 =	vadd.f32 $-1.000000000e+00, v18;
	v16 =	vmul.f32 v20, v16;
	v17 =	vmul.f32 v20, v17  }
0x306: {  	v19 =	vor.u32 v2, v19;
	v13 =	vmul.f32 v20, v13;
	vm0 =	vgt.f32 v21, v5  }
0x307: {  	v6 =	vmul.f32 v5, v6;
	v7 =	vmul.f32 v21, v7;
	v5 =	vsel vm0, v21, v5;
	v8 =	vpop (erf)  }
0x308: {  	v15 =	vmul.f32 v20, v15;
	v8 =	vmul.f32 v8, v18;
	vm1 =	vgt.f32 v13, v5  }
0x309: {  	v6 =	vadd.f32 v7, v6;
	v7 =	vmul.f32 v13, v11;
	v5 =	vsel vm1, v13, v5  }
0x30a: {  	s0 =	sadd.s32 $0x10, s13;
	s13 =	smov.u32 s22;
	v13 =	vor.u32 $0x2, v19;
	v11 =	vmul.f32 v8, v8;
	vm2 =	vgt.f32 v15, v5  }
0x30b: {  	s22 =	sand.u32 $0x70, s0;
	v12 =	vmul.f32 v15, v12;
	v18 =	vsel vm0, $0x1, v1;
	v5 =	vsel vm2, v15, v5  }
0x30c: {  	s19 =	sor.u32 s22, s19;
	v6 =	vadd.f32 v6, v7;
	v7 =	vsel vm1, $0x2, v18;
	vm0 =	vgt.f32 v16, v5  }
0x30d: {  	s16 =	sor.u32 s22, s16;
	v7 =	vsel vm2, $0x3, v7;
	v15 =	vmul.f32 v11, v0;
	v5 =	vsel vm0, v16, v5  }
0x30e: {  	s17 =	sor.u32 s22, s17;
	v14 =	vmul.f32 v16, v14;
	v7 =	vsel vm0, $0x4, v7;
	vm0 =	vgt.f32 v17, v5  }
0x30f: {  	s18 =	sor.u32 s22, s18;
	v6 =	vadd.f32 v6, v12;
	v5 =	vadd.f32 $1.428571490e-01, v15;
	v7 =	vsel vm0, $0x5, v7  }
0x310: {  	s21 =	sor.u32 s22, s21;
	v9 =	vmul.f32 v17, v9;
	[tilespmem:v13+s10+$0x0] =	vst.idx.msk $0xffff, v7;
	v7 =	vmov s0  }
0x311: {  	v6 =	vadd.f32 v6, v14;
	v5 =	vmul.f32 v5, v11;
	s0 =	sor.u32 s22, s20;
	v12 =	vld [tilespmem:s19+$0x0];
	v7 =	vshll.u32 v7, $0x7  }
0x312: {  	v13 =	vld [tilespmem:s16+$0x0];
	v7 =	vor.u32 v2, v7  }
0x313: {  	v9 =	vadd.f32 v6, v9;
	v5 =	vadd.f32 $2.000000030e-01, v5;
	v6 =	vld [tilespmem:s17+$0x0]  }
0x314: {  	v14 =	vld [tilespmem:s18+$0x0]  }
0x315: {  	v5 =	vmul.f32 v5, v11;
	v15 =	vld [tilespmem:s21+$0x0]  }
0x316: {  	v16 =	vld [tilespmem:s0+$0x0]  }
0x317: {  	v5 =	vadd.f32 $3.333333430e-01, v5;
	v17 =	vmax.f32 v12, v13  }
0x318: {  	v17 =	vmax.f32 v17, v6  }
0x319: {  	v5 =	vmul.f32 v5, v11;
	v11 =	vmax.f32 v17, v14  }
0x31a: {  	v10 =	vcvt.s32.f32 v10;
	v11 =	vmax.f32 v11, v15  }
0x31b: {  	v8 =	vadd.f32 v8, v8;
	v5 =	vadd.f32 $1.000000000e+00, v5;
	v11 =	vmax.f32 v11, v16  }
0x31c: {  	v10 =	vmul.f32 $6.931471820e-01, v10;
	v12 =	vsub.f32 v12, v11;
	v13 =	vsub.f32 v13, v11  }
0x31d: {  	v5 =	vmul.f32 v5, v8;
	v8 =	vsub.f32 v6, v11;
	v14 =	vsub.f32 v14, v11  }
0x31e: {  	v6 =	vsub.f32 v15, v11;
	v15 =	vmul.f32 $1.442695020e+00, v12;
	v17 =	vmul.f32 $1.442695020e+00, v13  }
0x31f: {  	v11 =	vsub.f32 v16, v11;
	v16 =	vmul.f32 $1.442695020e+00, v8;
	v18 =	vmul.f32 $1.442695020e+00, v14  }
0x320: {  	v19 =	vmul.f32 $1.442695020e+00, v6;
	v20 =	vadd.f32 v13, v12;
	(erf) = vpow2.f32 v15  }
0x321: {  	v5 =	vadd.f32 v5, v10;
	v10 =	vmul.f32 $1.442695020e+00, v11;
	(erf) = vpow2.f32 v17  }
0x322: {  	v15 =	vadd.f32 v20, v8;
	(erf) = vpow2.f32 v16  }
0x323: {  	v9 =	vsub.f32 $0.0e+00, v9;
	v5 =	vmul.f32 $1.000000120e+00, v5  }
0x324: {  	v15 =	vadd.f32 v15, v14;
	(erf) = vpow2.f32 v18  }
0x325: {  	v4 =	vmul.f32 $9.999999930e-09, v4;
	v5 =	vadd.f32 v5, v9  }
0x326: {  	v15 =	vadd.f32 v15, v6;
	(erf) = vpow2.f32 v19  }
0x327: {  	v4 =	vsub.f32 v5, v4  }
0x328: {  	v5 =	vadd.f32 v15, v11;
	(erf) = vpow2.f32 v10  }
0x329: {  	v9 =	vpop (erf)  }
0x32a: {  	v10 =	vpop (erf)  }
0x32b: {  	v15 =	vadd.f32 v10, v9;
	v16 =	vpop (erf);
	_ =	sdelay $0x1  }
0x32c: {  	v15 =	vadd.f32 v15, v16;
	v17 =	vpop (erf);
	_ =	sdelay $0x1  }
0x32d: {  	v15 =	vadd.f32 v15, v17;
	v18 =	vpop (erf);
	_ =	sdelay $0x1  }
0x32e: {  	v15 =	vadd.f32 v15, v18;
	v19 =	vpop (erf);
	_ =	sdelay $0x1  }
0x32f: {  	v15 =	vadd.f32 v15, v19;
	_ =	sdelay $0x1  }
0x330: {  	v20 =	vshra.s32 v15, $0x17;
	v21 =	vand.u32 $0x7FFFFF, v15;
	(erf) = vrcp.f32 v15  }
0x331: {  	v15 =	vadd.s32 $0xFFFFFF81, v20;
	v20 =	vor.u32 $0x3F800000, v21  }
0x332: {  	v21 =	vadd.f32 $1.000000000e+00, v20;
	v22 =	vcvt.s32.f32 v15;
	_ =	sdelay $0x1  }
0x333: {  	(erf) = vrcp.f32 v21;
	_ =	sdelay $0x4  }
0x334: {  	v15 =	vpop (erf)  }
0x335: {  	v9 =	vmul.f32 v15, v9;
	v21 =	vmul.f32 v15, v10  }
0x336: {  	v7 =	vor.u32 $0x2, v7;
	v20 =	vadd.f32 $-1.000000000e+00, v20;
	v16 =	vmul.f32 v15, v16  }
0x337: {  	v12 =	vmul.f32 v9, v12;
	v13 =	vmul.f32 v21, v13;
	vm0 =	vgt.f32 v21, v9  }
0x338: {  	v17 =	vmul.f32 v15, v17;
	v8 =	vmul.f32 v16, v8;
	v9 =	vsel vm0, v21, v9;
	v10 =	vpop (erf)  }
0x339: {  	s14 =	sadd.s32 $0x100, s14;
	v10 =	vmul.f32 v10, v20;
	v12 =	vadd.f32 v13, v12;
	vm1 =	vgt.f32 v16, v9  }
0x33a: {  	s20 =	sand.u32 $0xC00, s14;
	s0 =	sand.u32 $0x60, s13;
	v14 =	vmul.f32 v17, v14;
	v13 =	vmul.f32 v15, v18;
	v9 =	vsel vm1, v16, v9  }
0x33b: {  	s19 =	sor.u32 $0x2000, s20;
	s16 =	sor.u32 $0x2080, s20;
	s17 =	sor.u32 $0x2100, s20;
	v18 =	vsel vm0, $0x1, v1;
	v16 =	vmul.f32 v10, v10;
	vm0 =	vgt.f32 v17, v9  }
0x33c: {  	s18 =	sor.u32 $0x2180, s20;
	s22 =	sor.u32 s0, s19;
	s23 =	sor.u32 s0, s16;
	v15 =	vmul.f32 v15, v19;
	v18 =	vsel vm1, $0x2, v18;
	v9 =	vsel vm0, v17, v9  }
0x33d: {  	s21 =	sor.u32 $0x2200, s20;
	s20 =	sor.u32 $0x2280, s20;
	v18 =	vsel vm0, $0x3, v18;
	v17 =	vmul.f32 v16, v0;
	vm0 =	vgt.f32 v13, v9  }
0x33e: {  	v8 =	vadd.f32 v12, v8;
	v9 =	vsel vm0, v13, v9;
	v12 =	vsel vm0, $0x4, v18  }
0x33f: {  	s24 =	sor.u32 s0, s17;
	v18 =	vmul.f32 v15, v11;
	v17 =	vadd.f32 $1.428571490e-01, v17;
	vm0 =	vgt.f32 v15, v9  }
0x340: {  	s25 =	sor.u32 s0, s18;
	v6 =	vmul.f32 v13, v6;
	v8 =	vadd.f32 v8, v14;
	v9 =	vsel vm0, $0x5, v12  }
0x341: {  	s26 =	sor.u32 s0, s21;
	v11 =	vmul.f32 v17, v16;
	[tilespmem:v7+s10+$0x0] =	vst.idx.msk $0xffff, v9  }
0x342: {  	s0 =	sor.u32 s0, s20;
	v6 =	vadd.f32 v8, v6;
	v7 =	vld [tilespmem:s23+$0x0]  }
0x343: {  	v13 =	vld [tilespmem:s22+$0x0];
	v8 =	vadd.f32 $2.000000030e-01, v11  }
0x344: {  	v6 =	vadd.f32 v6, v18;
	v11 =	vld [tilespmem:s24+$0x0]  }
0x345: {  	v12 =	vld [tilespmem:s25+$0x0];
	v8 =	vmul.f32 v8, v16  }
0x346: {  	v15 =	vld [tilespmem:s26+$0x0]  }
0x347: {  	v9 =	vld [tilespmem:s0+$0x0];
	v8 =	vadd.f32 $3.333333430e-01, v8  }
0x348: {  	v14 =	vmax.f32 v13, v7  }
.Ltmp2:
0x349: {  	v14 =	vmax.f32 v14, v11;
	v8 =	vmul.f32 v8, v16;
	(pc) =	sbr.rel @p0 .LBB2_6-.Ltmp2, $4  }
0x34a: {  	v17 =	vadd.f32 v10, v10;
	v14 =	vmax.f32 v14, v12  }
0x34b: {  	v10 =	vmax.f32 v14, v15;
	v14 =	vadd.f32 $1.000000000e+00, v8  }
0x34c: {  	v8 =	vsub.f32 $0.0e+00, v6;
	v16 =	vmax.f32 v10, v9;
	v10 =	vmul.f32 $6.931471820e-01, v22  }
0x34d: {  	v6 =	vsub.f32 v13, v16;
	v7 =	vsub.f32 v7, v16;
	v14 =	vmul.f32 v14, v17  }
0x34e: {  	_ = 	snop  }
0x34f: {  	v17 =	vmul.f32 $1.442695020e+00, v6  }
0x350: {  	v13 =	vsub.f32 v11, v16;
	v35 =	vmul.f32 $1.442695020e+00, v7  }
0x351: {  	(erf) = vpow2.f32 v17  }
0x352: {  	v12 =	vsub.f32 v12, v16;
	v36 =	vmul.f32 $1.442695020e+00, v13;
	(erf) = vpow2.f32 v35;
	_ =	sdelay $0x1  }
0x353: {  	v11 =	vsub.f32 v15, v16;
	v37 =	vmul.f32 $1.442695020e+00, v12;
	(erf) = vpow2.f32 v36;
	_ =	sdelay $0x1  }
0x354: {  	v9 =	vsub.f32 v9, v16;
	v38 =	vmul.f32 $1.442695020e+00, v11;
	(erf) = vpow2.f32 v37;
	_ =	sdelay $0x1  }
0x355: {  	v39 =	vmul.f32 $1.442695020e+00, v9;
	(erf) = vpow2.f32 v38;
	_ =	sdelay $0x1  }
0x356: {  	(erf) = vpow2.f32 v39;
	v40 =	vpop (erf)  }
0x357: {  	v41 =	vpop (erf)  }
0x358: {  	v42 =	vadd.f32 v41, v40  }
0x359: {  	v18 =	vpop (erf)  }
0x35a: {  	v17 =	vadd.f32 v42, v18  }
0x35b: {  	v19 =	vpop (erf)  }
0x35c: {  	v17 =	vadd.f32 v17, v19  }
0x35d: {  	v20 =	vpop (erf)  }
0x35e: {  	v17 =	vadd.f32 v17, v20  }
0x35f: {  	v21 =	vpop (erf)  }
0x360: {  	v17 =	vadd.f32 v17, v21;
	_ =	sdelay $0x1  }
0x361: {  	(erf) = vrcp.f32 v17;
	_ =	sdelay $0x8  }
0x362: {  	v22 =	vpop (erf)  }
0x363: {  	v16 =	vmul.f32 v22, v40;
	v15 =	vmul.f32 v22, v41;
	_ =	sdelay $0x1  }
0x364: {  	v18 =	vmul.f32 v22, v18;
	vm0 =	vgt.f32 v15, v16  }
0x365: {  	v23 =	vsel vm0, v15, v16  }
0x366: {  	v24 =	vmov s13;
	v19 =	vmul.f32 v22, v19;
	vm1 =	vgt.f32 v18, v23  }
0x367: {  	v24 =	vshll.u32 v24, $0x7;
	v23 =	vsel vm1, v18, v23  }
0x368: {  	v24 =	vor.u32 v2, v24;
	v20 =	vmul.f32 v22, v20;
	vm2 =	vgt.f32 v19, v23  }
0x369: {  	v24 =	vor.u32 $0x2, v24;
	v25 =	vsel vm0, $0x1, v1;
	v23 =	vsel vm2, v19, v23  }
0x36a: {  	v21 =	vmul.f32 v22, v21;
	v43 =	vsel vm1, $0x2, v25;
	vm9 =	vgt.f32 v20, v23  }
0x36b: {  	v22 =	vsel vm2, $0x3, v43;
	v23 =	vsel vm9, v20, v23  }
0x36c: {  	s28 =	sadd.s32 $0x10, s13;
	v22 =	vsel vm9, $0x4, v22;
	vm10 =	vgt.f32 v21, v23  }
0x36d: {  	s0 =	sand.u32 $0x70, s28;
	v22 =	vsel vm10, $0x5, v22  }
0x36e: {  	s14 =	sor.u32 s0, s19;
	[tilespmem:v24+s10+$0x0] =	vst.idx.msk $0xffff, v22  }
0x36f: {  	s15 =	sor.u32 s0, s16;
	v22 =	vld [tilespmem:s14+$0x0]  }
0x370: {  	s29 =	sor.u32 s0, s17;
	v44 =	vld [tilespmem:s15+$0x0]  }
0x371: {  	s30 =	sor.u32 s0, s18;
	v24 =	vld [tilespmem:s29+$0x0]  }
0x372: {  	s31 =	sor.u32 s0, s21;
	v45 =	vld [tilespmem:s30+$0x0]  }
0x373: {  	s0 =	sor.u32 s0, s20;
	v26 =	vld [tilespmem:s31+$0x0]  }
0x374: {  	v27 =	vld [tilespmem:s0+$0x0]  }
0x375: {  	v28 =	vmax.f32 v22, v44  }
0x376: {  	v28 =	vmax.f32 v28, v24  }
0x377: {  	v28 =	vmax.f32 v28, v45  }
0x378: {  	v28 =	vmax.f32 v28, v26  }
0x379: {  	v29 =	vand.u32 $0x7FFFFF, v17;
	v28 =	vmax.f32 v28, v27  }
0x37a: {  	v29 =	vor.u32 $0x3F800000, v29;
	v22 =	vsub.f32 v22, v28  }
0x37b: {  	v30 =	vadd.f32 $1.000000000e+00, v29;
	v23 =	vsub.f32 v44, v28  }
0x37c: {  	v31 =	vmul.f32 $1.442695020e+00, v22  }
0x37d: {  	(erf) = vrcp.f32 v30;
	v24 =	vsub.f32 v24, v28;
	v46 =	vmul.f32 $1.442695020e+00, v23  }
0x37e: {  	(erf) = vpow2.f32 v31  }
0x37f: {  	v25 =	vsub.f32 v45, v28;
	v47 =	vmul.f32 $1.442695020e+00, v24;
	(erf) = vpow2.f32 v46;
	_ =	sdelay $0x1  }
0x380: {  	v26 =	vsub.f32 v26, v28;
	v48 =	vmul.f32 $1.442695020e+00, v25;
	(erf) = vpow2.f32 v47;
	_ =	sdelay $0x1  }
0x381: {  	v27 =	vsub.f32 v27, v28;
	v49 =	vmul.f32 $1.442695020e+00, v26;
	(erf) = vpow2.f32 v48;
	_ =	sdelay $0x1  }
0x382: {  	v50 =	vmul.f32 $1.442695020e+00, v27;
	(erf) = vpow2.f32 v49  }
0x383: {  	v51 =	vpop (erf)  }
0x384: {  	(erf) = vpow2.f32 v50;
	v52 =	vpop (erf)  }
0x385: {  	v53 =	vpop (erf)  }
0x386: {  	v32 =	vadd.f32 v53, v52  }
0x387: {  	v33 =	vpop (erf)  }
0x388: {  	v32 =	vadd.f32 v32, v33  }
0x389: {  	v34 =	vpop (erf)  }
0x38a: {  	v32 =	vadd.f32 v32, v34  }
0x38b: {  	v35 =	vpop (erf)  }
0x38c: {  	v32 =	vadd.f32 v32, v35  }
0x38d: {  	v36 =	vpop (erf)  }
0x38e: {  	v32 =	vadd.f32 v32, v36  }
0x38f: {  	v29 =	vadd.f32 $-1.000000000e+00, v29  }
0x390: {  	v37 =	vand.u32 $0x7FFFFF, v32  }
0x391: {  	v28 =	vmul.f32 v51, v29;
	v37 =	vor.u32 $0x3F800000, v37  }
0x392: {  	v38 =	vadd.f32 $1.000000000e+00, v37  }
0x393: {  	v29 =	vmul.f32 v28, v28;
	(erf) = vrcp.f32 v32  }
0x394: {  	(erf) = vrcp.f32 v38  }
0x395: {  	v54 =	vmul.f32 v29, v0  }
0x396: {  	v10 =	vadd.f32 v14, v10  }
0x397: {  	v14 =	vadd.f32 $1.428571490e-01, v54  }
0x398: {  	v10 =	vmul.f32 $1.000000120e+00, v10  }
0x399: {  	v3 =	vadd.f32 v4, v3;
	v55 =	vadd.f32 v7, v6;
	v14 =	vmul.f32 v14, v29  }
0x39a: {  	v8 =	vadd.f32 v10, v8;
	v57 =	vmul.f32 v16, v6;
	v58 =	vmul.f32 v15, v7  }
0x39b: {  	v5 =	vmul.f32 $9.999999930e-09, v5;
	v10 =	vadd.f32 v55, v13;
	v14 =	vadd.f32 $2.000000030e-01, v14  }
0x39c: {  	v61 =	vmul.f32 v18, v13;
	v6 =	vadd.f32 v58, v57;
	v37 =	vadd.f32 $-1.000000000e+00, v37;
	v56 =	vpop (erf)  }
0x39d: {  	v5 =	vsub.f32 v8, v5;
	v10 =	vadd.f32 v10, v12;
	v62 =	vmul.f32 v14, v29;
	v59 =	vpop (erf)  }
0x39e: {  	v12 =	vmul.f32 v19, v12;
	v6 =	vadd.f32 v6, v61;
	v60 =	vmul.f32 v59, v37  }
0x39f: {  	v10 =	vadd.f32 v10, v11;
	v19 =	vadd.f32 $3.333333430e-01, v62  }
0x3a0: {  	v11 =	vmul.f32 v20, v11;
	v6 =	vadd.f32 v6, v12;
	v63 =	vmul.f32 v60, v60  }
0x3a1: {  	v10 =	vadd.f32 v10, v9;
	v9 =	vmul.f32 v21, v9;
	v7 =	vmul.f32 v19, v29  }
0x3a2: {  	v6 =	vadd.f32 v6, v11;
	v38 =	vshra.s32 v17, $0x17;
	v37 =	vmul.f32 v63, v0  }
0x3a3: {  	v40 =	vadd.f32 v28, v28;
	v7 =	vadd.f32 $1.000000000e+00, v7;
	v12 =	vadd.s32 $0xFFFFFF81, v38  }
0x3a4: {  	v6 =	vadd.f32 v6, v9;
	v39 =	vcvt.s32.f32 v12;
	v13 =	vadd.f32 $1.428571490e-01, v37  }
0x3a5: {  	v3 =	vadd.f32 v5, v3;
	v57 =	vmul.f32 $9.999999930e-09, v10;
	v7 =	vmul.f32 v7, v40  }
0x3a6: {  	v6 =	vsub.f32 $0.0e+00, v6;
	v11 =	vmul.f32 $6.931471820e-01, v39;
	v13 =	vmul.f32 v13, v63  }
0x3a7: {  	v51 =	vmov s28;
	v41 =	vmul.f32 v56, v52;
	v42 =	vmul.f32 v56, v53  }
0x3a8: {  	v47 =	vmul.f32 v56, v33;
	v48 =	vmul.f32 v56, v34;
	v43 =	vadd.f32 $2.000000030e-01, v13  }
0x3a9: {  	v44 =	vadd.f32 v23, v22;
	v45 =	vmul.f32 v41, v22;
	v46 =	vmul.f32 v42, v23  }
0x3aa: {  	v7 =	vadd.f32 v7, v11;
	v50 =	vmul.f32 v56, v35;
	v12 =	vmul.f32 v43, v63  }
0x3ab: {  	v53 =	vshra.s32 v32, $0x17;
	v49 =	vmul.f32 v47, v24;
	v15 =	vadd.f32 v46, v45  }
0x3ac: {  	v4 =	vmul.f32 v56, v36;
	v17 =	vadd.s32 $0xFFFFFF81, v53;
	v12 =	vadd.f32 $3.333333430e-01, v12  }
0x3ad: {  	v54 =	vmul.f32 v48, v25;
	v7 =	vmul.f32 $1.000000120e+00, v7;
	v15 =	vadd.f32 v15, v49  }
0x3ae: {  	v52 =	vshll.u32 v51, $0x7;
	v17 =	vcvt.s32.f32 v17;
	v5 =	vmul.f32 v12, v63  }
0x3af: {  	v55 =	vmul.f32 v50, v26;
	v8 =	vadd.f32 v60, v60;
	v15 =	vadd.f32 v15, v54  }
0x3b0: {  	vm11 =	vgt.f32 v42, v41;
	v13 =	vadd.f32 v44, v24;
	v5 =	vadd.f32 $1.000000000e+00, v5  }
0x3b1: {  	v56 =	vmul.f32 v4, v27;
	v9 =	vsel vm11, v42, v41;
	v15 =	vadd.f32 v15, v55  }
0x3b2: {  	v17 =	vmul.f32 $6.931471820e-01, v17;
	v13 =	vadd.f32 v13, v25;
	v5 =	vmul.f32 v5, v8  }
0x3b3: {  	v6 =	vadd.f32 v7, v6;
	vm12 =	vgt.f32 v47, v9;
	v7 =	vadd.f32 v15, v56  }
0x3b4: {  	v9 =	vsel vm12, v47, v9;
	v58 =	vadd.f32 v13, v26;
	v5 =	vadd.f32 v5, v17  }
0x3b5: {  	v6 =	vsub.f32 v6, v57;
	v60 =	vsel vm11, $0x1, v1;
	vm13 =	vgt.f32 v48, v9  }
0x3b6: {  	v7 =	vsub.f32 $0.0e+00, v7;
	v59 =	vadd.f32 v58, v27;
	v5 =	vmul.f32 $1.000000120e+00, v5  }
0x3b7: {  	v10 =	vsel vm12, $0x2, v60;
	v9 =	vsel vm13, v48, v9;
	v12 =	vor.u32 v2, v52  }
0x3b8: {  	v61 =	vor.u32 $0x2, v12;
	v8 =	vmul.f32 $9.999999930e-09, v59;
	v5 =	vadd.f32 v5, v7  }
0x3b9: {  	v62 =	vsel vm13, $0x3, v10;
	vm14 =	vgt.f32 v50, v9  }
0x3ba: {  	v3 =	vadd.f32 v6, v3;
	v9 =	vsel vm14, v50, v9;
	v5 =	vsub.f32 v5, v8  }
0x3bb: {  	vm15 =	vgt.f32 v4, v9;
	v63 =	vsel vm14, $0x4, v62  }
0x3bc: {  	v4 =	vsel vm15, $0x5, v63;
	v3 =	vadd.f32 v5, v3  }
0x3bd: {  	[tilespmem:v61+s10+$0x0] =	vst.idx.msk $0xffff, v4  }
0x3be: {  	[tilespmem:$0x13000] =	vst v3  }
0x3bf: {  	[hbm4b:s4+s1] =	stream.linear.scatter [tilespmem:s10], [sflag:$0x1], $0x10000, $0x38;
	[tilespmem:$0x13080] =	vst v63  }
0x3c0: {  	s12 =	sadd.s32 $0x1, s12;
	_ =	swait.ge [sflag:s9], $0x10000  }
0x3c1: {  	p0 =	sne.s32 s12, s6;
	[sflag:s9] =	ssyncset.done $0x0  }
.Ltmp3:
0x3c2: {  	[sflag:s9] =	ssyncadd.s32 $0xFFFF0000;
	(pc) =	sbr.rel @p0 .LBB2_1-.Ltmp3, $4  }
0x3c3: {  	[hbm4b:s5+s1] =	stream.linear.scatter [tilespmem:s11], [sflag:$0x1], $0x80, $0x38;
	[tilespmem:$0x13080] =	vst v63  }
0x3c4: {  	_ =	swait.ge [sflag:s9], $0x80  }
0x3c5: {  	[sflag:s9] =	ssyncset.done $0x0  }
0x3c6: {  	[sflag:s9] =	ssyncadd.s32 $0xFFFFFF80  }
0x3c7: {  	_ =	sfence.sel $0x180000  }
0x3c8: {  	[bflag:$0x0] =	sbarrier.arrive $0xFFFF  }
0x3c9: {  	_ =	strace $0x90000047  }
0x3ca: {  	[bflag:$0x2] =	sbarrier.arrive $0xFFFF  }
0x3cb: {  	p0 =	sne.s32 s2, $0x0;
	s0 =	rddreg [dreg:$0x2]  }
0x3cc: {  	s0 =	sadd.s32 @!p0 $0x100000, s0  }
0x3cd: {  	[sflag:s0] =	ssyncadd.tile.s32 @!p0 $0x1;
	_ =	shalt  }
.Lfunc_end2:
_tile_overlayer_lowered:
.L_overlay_start_2:
0x3ce: {  	(tag) =	ssettag $0x2  }
0x3cf: {  	s0 =	rddreg [dreg:$0x0];
	s2 =	stileid.u32  }
0x3d0: {  	s1 =	rddreg [dreg:$0x1];
	p0 =	sne.s32 s2, $0x0  }
0x3d1: {  	s3 =	rddreg [dreg:$0x2];
	[bflag:$0x3] =	sbarrier.arrive $0xFFFF;
	s2 =	simm.s32 @!p0 $0x1C01  }
0x3d2: {  	[timem:s3], [sflag:s2] =	dma.local @!p0 [hbm:s0], s1  }
0x3d3: {  	s0 =	simm.s32 @!p0 $0x1  }
0x3d4: {  	_ =	swait.ge @!p0 [sflag:s0], s1  }
0x3d5: {  	s1 =	ssub.s32 @!p0 $0x0, s1;
	[sflag:s0] =	ssyncset.done @!p0 $0x0  }
0x3d6: {  	[sflag:s0] =	ssyncadd.s32 @!p0 s1  }
0x3d7: {  	[bflag:$0x3] =	sbarrier.arrive $0xFFFF  }
0x3d8: {  	_ =	shalt  }

</sc_bundles>
